<compile_context>
chip_gen: v7x
topology: tpu7x:2x2x1
jax: 0.10.2.dev20260603
libtpu: 0.0.44.dev20260713+nightly
codegen_flags: <defaults>
</compile_context>

<pallas_src>
import functools

import jax
import jax.numpy as jnp
from jax import lax
from jax.experimental import pallas as pl
from jax.experimental.pallas import tpu as pltpu
from jax.experimental.pallas import tpu_sc as plsc

N = 1000000
NW = 32
CH = 31248
TAIL = N - NW * CH
ZC = 3472
NZ = CH // ZC
VREGS = CH // 16
UNROLL = 9
STEPS = VREGS // UNROLL
BIG = 2**30
ROWS = 1000
COLS = 1000


def _sc_body(x_hbm, out_hbm, pv_hbm, pi_hbm,
             xbuf, zbuf, tbuf, pvbuf, pibuf, bvref, biref, semz, semx):
    wid = lax.axis_index("s") * 2 + lax.axis_index("c")
    base = wid * CH

    in_cp = pltpu.async_copy(x_hbm.at[pl.ds(base, CH)], xbuf, semx)

    def _zero(i, carry):
        for u in range(7):
            zbuf[pl.ds((i * 7 + u) * 16, 16)] = jnp.zeros((16,), jnp.int32)
        return carry

    lax.fori_loop(0, 31, _zero, 0, unroll=False)

    zcps = [
        pltpu.async_copy(zbuf, out_hbm.at[pl.ds(base + k * ZC, ZC)], semz)
        for k in range(NZ)
    ]

    @pl.when(wid == 0)
    def _tail_zero():
        pltpu.sync_copy(zbuf.at[pl.ds(0, TAIL)],
                        out_hbm.at[pl.ds(NW * CH, TAIL)])

    in_cp.wait()

    lane = lax.iota(jnp.int32, 16)

    def _step(i, carry):
        bv, bi, cur = carry
        for u in range(UNROLL):
            v = xbuf[pl.ds((i * UNROLL + u) * 16, 16)]
            m = v > bv
            bv = jnp.where(m, v, bv)
            bi = jnp.where(m, cur, bi)
            cur = cur + 16
        return bv, bi, cur

    bv0 = jnp.full((16,), -jnp.inf, jnp.float32)
    bi0 = jnp.zeros((16,), jnp.int32)
    bv, bi, _ = lax.fori_loop(0, STEPS, _step,
                              (bv0, bi0, base + lane), unroll=False)
    bvref[...] = bv
    biref[...] = bi

    @pl.when(wid == 0)
    def _tail():
        pltpu.sync_copy(x_hbm.at[pl.ds(NW * CH, TAIL)], tbuf)
        bv, bi = bvref[...], biref[...]
        cur = NW * CH + lane
        for u in range(TAIL // 16):
            v = tbuf[pl.ds(u * 16, 16)]
            m = v > bv
            bv = jnp.where(m, v, bv)
            bi = jnp.where(m, cur, bi)
            cur = cur + 16
        bvref[...] = bv
        biref[...] = bi

    pvbuf[...] = bvref[...]
    pibuf[...] = biref[...]
    pltpu.sync_copy(pvbuf, pv_hbm.at[pl.ds(wid * 16, 16)])
    pltpu.sync_copy(pibuf, pi_hbm.at[pl.ds(wid * 16, 16)])

    for cp in zcps:
        cp.wait()


_sc_call = functools.partial(
    pl.kernel,
    mesh=plsc.VectorSubcoreMesh(core_axis_name="c", subcore_axis_name="s"),
    out_type=[
        jax.ShapeDtypeStruct((N,), jnp.int32),
        jax.ShapeDtypeStruct((NW * 16,), jnp.float32),
        jax.ShapeDtypeStruct((NW * 16,), jnp.int32),
    ],
    scratch_types=[
        pltpu.VMEM((CH,), jnp.float32),
        pltpu.VMEM((ZC,), jnp.int32),
        pltpu.VMEM((TAIL,), jnp.float32),
        pltpu.VMEM((16,), jnp.float32),
        pltpu.VMEM((16,), jnp.int32),
        pltpu.VMEM((16,), jnp.float32),
        pltpu.VMEM((16,), jnp.int32),
        pltpu.SemaphoreType.DMA,
        pltpu.SemaphoreType.DMA,
    ],
)(_sc_body)


PATCH = 512


def _patch_body(z_ref, pv_ref, pi_ref, out_ref, buf, sem):
    vals = pv_ref[...]
    idxs = pi_ref[...]
    m = jnp.max(vals)
    cand = jnp.where(vals == m, idxs, BIG)
    idx = jnp.min(cand)
    base = (idx // PATCH) * PATCH
    off = idx - base
    pos = lax.broadcasted_iota(jnp.int32, (PATCH,), 0)
    buf[...] = (pos == off).astype(jnp.int32)
    cp = pltpu.make_async_copy(buf, out_ref.at[pl.ds(base, PATCH)], sem)
    cp.start()
    cp.wait()


def kernel(x):
    zeros, pv, pi = _sc_call(x)
    out = pl.pallas_call(
        _patch_body,
        in_specs=[
            pl.BlockSpec(memory_space=pl.ANY),
            pl.BlockSpec((NW * 16,), lambda: (0,)),
            pl.BlockSpec((NW * 16,), lambda: (0,)),
        ],
        out_specs=pl.BlockSpec(memory_space=pl.ANY),
        out_shape=jax.ShapeDtypeStruct((N,), jnp.int32),
        scratch_shapes=[
            pltpu.VMEM((PATCH,), jnp.int32),
            pltpu.SemaphoreType.DMA,
        ],
        input_output_aliases={0: 0},
    )(zeros, pv, pi)
    return out

# --- scband reference (transcript-rebuilt; emitter-appended) ---
"""Pipeline reference for scband-make-one-hot-20083267076871 (READ-ONLY COPY).

The authoritative reference and input builder live on the scoring server;
editing this copy changes nothing except your own understanding.
"""

import jax, jax.numpy as jnp
import numpy as np

NUM_CLASSES = 1000000


def setup_inputs(seed: int = 0) -> dict:
    key = jax.random.key(seed)
    x = jax.random.normal(key, (1000000,), dtype=jnp.float32)
    return {"x": x}


def reference(x):
    # torch.argmax(x) with no dim argument operates on the flattened tensor
    ind = jnp.argmax(x.reshape(-1))
    # nn.functional.one_hot -> scatter-overwrite of a 1 at position ind (int64 in torch;
    # int32 here to stay CPU-jax friendly without x64 mode)
    out = jnp.zeros((NUM_CLASSES,), dtype=jnp.int32).at[ind].set(1)
    return out

if __name__ == "__main__":
    import jax
    _d = setup_inputs()
    print(jax.jit(kernel)(*tuple(_d.values())))

</pallas_src>

<mosaic_0001>
#map = affine_map<(d0, d1) -> (0)>
module attributes {stable_mosaic.version = 14 : i64} {
  func.func @_sc_body(%arg0: i32, %arg1: i32, %arg2: memref<1000000xf32, #tpu.memory_space<hbm>>, %arg3: memref<1000000xi32, #tpu.memory_space<hbm>>, %arg4: memref<512xf32, #tpu.memory_space<hbm>>, %arg5: memref<512xi32, #tpu.memory_space<hbm>>, %arg6: memref<31248xf32, #tpu.memory_space<vmem>>, %arg7: memref<3472xi32, #tpu.memory_space<vmem>>, %arg8: memref<64xf32, #tpu.memory_space<vmem>>, %arg9: memref<16xf32, #tpu.memory_space<vmem>>, %arg10: memref<16xi32, #tpu.memory_space<vmem>>, %arg11: memref<16xf32, #tpu.memory_space<vmem>>, %arg12: memref<16xi32, #tpu.memory_space<vmem>>, %arg13: memref<!tpu.dma_semaphore, #tpu.memory_space<semaphore_mem>>, %arg14: memref<!tpu.dma_semaphore, #tpu.memory_space<semaphore_mem>>) attributes {dimension_semantics = [#tpu.dimension_semantics<core_parallel>, #tpu.dimension_semantics<subcore_parallel>], iteration_bounds = array<i64: 2, 16>, scalar_prefetch = 0 : i64, scratch_operands = 9 : i64, tpu.core_type = #tpu.core_type<sc_vector_subcore>, window_params = [{transform_indices = #map}, {transform_indices = #map}, {transform_indices = #map}, {transform_indices = #map}]} {
    %mul3A = arith.constant 2 : i32
    %mul3A_0 = arith.muli %arg1, %mul3A : i32
    %add3A = arith.addi %mul3A_0, %arg0 : i32
    %mul3A_1 = arith.constant 31248 : i32
    %mul3A_2 = arith.muli %add3A, %mul3A_1 : i32
    %dma_start3A = tpu.memref_slice %arg2[%mul3A_2] : memref<1000000xf32, #tpu.memory_space<hbm>> -> memref<31248xf32, #tpu.memory_space<hbm>>
    %dma_start3A_3 = tpu.memref_slice %arg2[%mul3A_2] : memref<1000000xf32, #tpu.memory_space<hbm>> -> memref<31248xf32, #tpu.memory_space<hbm>>
    tpu.enqueue_dma source(%dma_start3A_3 : memref<31248xf32, #tpu.memory_space<hbm>>) target(%arg6 : memref<31248xf32, #tpu.memory_space<vmem>>) target_semaphore(%arg14 : memref<!tpu.dma_semaphore, #tpu.memory_space<semaphore_mem>>)
    %scan3A = arith.constant 0 : i32
    %scan3A_4 = arith.constant 0 : i32
    %scan3A_5 = arith.constant 31 : i32
    %scan3A_6 = arith.addi %scan3A_4, %scan3A_5 : i32
    %scan3A_7 = arith.constant 1 : i32
    scf.for %scan3A_106 = %scan3A_4 to %scan3A_6 step %scan3A_7  : i32 {
      %broadcast_in_dim3A_107 = arith.constant 0 : i32
      %broadcast_in_dim3A_108 = vector.broadcast %broadcast_in_dim3A_107 : i32 to vector<16xi32>
      %mul3A_109 = arith.constant 7 : i32
      %mul3A_110 = arith.muli %scan3A_106, %mul3A_109 : i32
      %add3A_111 = arith.constant 0 : i32
      %add3A_112 = arith.addi %mul3A_110, %add3A_111 : i32
      %mul3A_113 = arith.constant 16 : i32
      %mul3A_114 = arith.muli %add3A_112, %mul3A_113 : i32
      %swap3A_115 = arith.index_cast %mul3A_114 : i32 to index
      %swap3A_116 = tpu.vector_load %arg7[%swap3A_115] {strides = array<i32>} : memref<3472xi32, #tpu.memory_space<vmem>>, vector<16xi32>,
      %swap3A_117 = vector.shape_cast %swap3A_116 : vector<16xi32> to vector<16xi32>
      %swap3A_118 = vector.shape_cast %broadcast_in_dim3A_108 : vector<16xi32> to vector<16xi32>
      tpu.vector_store %arg7[%swap3A_115], %swap3A_118 {strides = array<i32>} : memref<3472xi32, #tpu.memory_space<vmem>>, vector<16xi32>,
      %broadcast_in_dim3A_119 = arith.constant 0 : i32
      %broadcast_in_dim3A_120 = vector.broadcast %broadcast_in_dim3A_119 : i32 to vector<16xi32>
      %mul3A_121 = arith.constant 7 : i32
      %mul3A_122 = arith.muli %scan3A_106, %mul3A_121 : i32
      %add3A_123 = arith.constant 1 : i32
      %add3A_124 = arith.addi %mul3A_122, %add3A_123 : i32
      %mul3A_125 = arith.constant 16 : i32
      %mul3A_126 = arith.muli %add3A_124, %mul3A_125 : i32
      %swap3A_127 = arith.index_cast %mul3A_126 : i32 to index
      %swap3A_128 = tpu.vector_load %arg7[%swap3A_127] {strides = array<i32>} : memref<3472xi32, #tpu.memory_space<vmem>>, vector<16xi32>,
      %swap3A_129 = vector.shape_cast %swap3A_128 : vector<16xi32> to vector<16xi32>
      %swap3A_130 = vector.shape_cast %broadcast_in_dim3A_120 : vector<16xi32> to vector<16xi32>
      tpu.vector_store %arg7[%swap3A_127], %swap3A_130 {strides = array<i32>} : memref<3472xi32, #tpu.memory_space<vmem>>, vector<16xi32>,
      %broadcast_in_dim3A_131 = arith.constant 0 : i32
      %broadcast_in_dim3A_132 = vector.broadcast %broadcast_in_dim3A_131 : i32 to vector<16xi32>
      %mul3A_133 = arith.constant 7 : i32
      %mul3A_134 = arith.muli %scan3A_106, %mul3A_133 : i32
      %add3A_135 = arith.constant 2 : i32
      %add3A_136 = arith.addi %mul3A_134, %add3A_135 : i32
      %mul3A_137 = arith.constant 16 : i32
      %mul3A_138 = arith.muli %add3A_136, %mul3A_137 : i32
      %swap3A_139 = arith.index_cast %mul3A_138 : i32 to index
      %swap3A_140 = tpu.vector_load %arg7[%swap3A_139] {strides = array<i32>} : memref<3472xi32, #tpu.memory_space<vmem>>, vector<16xi32>,
      %swap3A_141 = vector.shape_cast %swap3A_140 : vector<16xi32> to vector<16xi32>
      %swap3A_142 = vector.shape_cast %broadcast_in_dim3A_132 : vector<16xi32> to vector<16xi32>
      tpu.vector_store %arg7[%swap3A_139], %swap3A_142 {strides = array<i32>} : memref<3472xi32, #tpu.memory_space<vmem>>, vector<16xi32>,
      %broadcast_in_dim3A_143 = arith.constant 0 : i32
      %broadcast_in_dim3A_144 = vector.broadcast %broadcast_in_dim3A_143 : i32 to vector<16xi32>
      %mul3A_145 = arith.constant 7 : i32
      %mul3A_146 = arith.muli %scan3A_106, %mul3A_145 : i32
      %add3A_147 = arith.constant 3 : i32
      %add3A_148 = arith.addi %mul3A_146, %add3A_147 : i32
      %mul3A_149 = arith.constant 16 : i32
      %mul3A_150 = arith.muli %add3A_148, %mul3A_149 : i32
      %swap3A_151 = arith.index_cast %mul3A_150 : i32 to index
      %swap3A_152 = tpu.vector_load %arg7[%swap3A_151] {strides = array<i32>} : memref<3472xi32, #tpu.memory_space<vmem>>, vector<16xi32>,
      %swap3A_153 = vector.shape_cast %swap3A_152 : vector<16xi32> to vector<16xi32>
      %swap3A_154 = vector.shape_cast %broadcast_in_dim3A_144 : vector<16xi32> to vector<16xi32>
      tpu.vector_store %arg7[%swap3A_151], %swap3A_154 {strides = array<i32>} : memref<3472xi32, #tpu.memory_space<vmem>>, vector<16xi32>,
      %broadcast_in_dim3A_155 = arith.constant 0 : i32
      %broadcast_in_dim3A_156 = vector.broadcast %broadcast_in_dim3A_155 : i32 to vector<16xi32>
      %mul3A_157 = arith.constant 7 : i32
      %mul3A_158 = arith.muli %scan3A_106, %mul3A_157 : i32
      %add3A_159 = arith.constant 4 : i32
      %add3A_160 = arith.addi %mul3A_158, %add3A_159 : i32
      %mul3A_161 = arith.constant 16 : i32
      %mul3A_162 = arith.muli %add3A_160, %mul3A_161 : i32
      %swap3A_163 = arith.index_cast %mul3A_162 : i32 to index
      %swap3A_164 = tpu.vector_load %arg7[%swap3A_163] {strides = array<i32>} : memref<3472xi32, #tpu.memory_space<vmem>>, vector<16xi32>,
      %swap3A_165 = vector.shape_cast %swap3A_164 : vector<16xi32> to vector<16xi32>
      %swap3A_166 = vector.shape_cast %broadcast_in_dim3A_156 : vector<16xi32> to vector<16xi32>
      tpu.vector_store %arg7[%swap3A_163], %swap3A_166 {strides = array<i32>} : memref<3472xi32, #tpu.memory_space<vmem>>, vector<16xi32>,
      %broadcast_in_dim3A_167 = arith.constant 0 : i32
      %broadcast_in_dim3A_168 = vector.broadcast %broadcast_in_dim3A_167 : i32 to vector<16xi32>
      %mul3A_169 = arith.constant 7 : i32
      %mul3A_170 = arith.muli %scan3A_106, %mul3A_169 : i32
      %add3A_171 = arith.constant 5 : i32
      %add3A_172 = arith.addi %mul3A_170, %add3A_171 : i32
      %mul3A_173 = arith.constant 16 : i32
      %mul3A_174 = arith.muli %add3A_172, %mul3A_173 : i32
      %swap3A_175 = arith.index_cast %mul3A_174 : i32 to index
      %swap3A_176 = tpu.vector_load %arg7[%swap3A_175] {strides = array<i32>} : memref<3472xi32, #tpu.memory_space<vmem>>, vector<16xi32>,
      %swap3A_177 = vector.shape_cast %swap3A_176 : vector<16xi32> to vector<16xi32>
      %swap3A_178 = vector.shape_cast %broadcast_in_dim3A_168 : vector<16xi32> to vector<16xi32>
      tpu.vector_store %arg7[%swap3A_175], %swap3A_178 {strides = array<i32>} : memref<3472xi32, #tpu.memory_space<vmem>>, vector<16xi32>,
      %broadcast_in_dim3A_179 = arith.constant 0 : i32
      %broadcast_in_dim3A_180 = vector.broadcast %broadcast_in_dim3A_179 : i32 to vector<16xi32>
      %mul3A_181 = arith.constant 7 : i32
      %mul3A_182 = arith.muli %scan3A_106, %mul3A_181 : i32
      %add3A_183 = arith.constant 6 : i32
      %add3A_184 = arith.addi %mul3A_182, %add3A_183 : i32
      %mul3A_185 = arith.constant 16 : i32
      %mul3A_186 = arith.muli %add3A_184, %mul3A_185 : i32
      %swap3A_187 = arith.index_cast %mul3A_186 : i32 to index
      %swap3A_188 = tpu.vector_load %arg7[%swap3A_187] {strides = array<i32>} : memref<3472xi32, #tpu.memory_space<vmem>>, vector<16xi32>,
      %swap3A_189 = vector.shape_cast %swap3A_188 : vector<16xi32> to vector<16xi32>
      %swap3A_190 = vector.shape_cast %broadcast_in_dim3A_180 : vector<16xi32> to vector<16xi32>
      tpu.vector_store %arg7[%swap3A_187], %swap3A_190 {strides = array<i32>} : memref<3472xi32, #tpu.memory_space<vmem>>, vector<16xi32>,
    }
    %scan3A_8 = arith.constant 31 : i32
    %add3A_9 = arith.constant 0 : i32
    %add3A_10 = arith.addi %mul3A_2, %add3A_9 : i32
    %dma_start3A_11 = tpu.memref_slice %arg3[%add3A_10] : memref<1000000xi32, #tpu.memory_space<hbm>> -> memref<3472xi32, #tpu.memory_space<hbm>>
    %dma_start3A_12 = tpu.memref_slice %arg3[%add3A_10] : memref<1000000xi32, #tpu.memory_space<hbm>> -> memref<3472xi32, #tpu.memory_space<hbm>>
    tpu.enqueue_dma source(%arg7 : memref<3472xi32, #tpu.memory_space<vmem>>) target(%dma_start3A_12 : memref<3472xi32, #tpu.memory_space<hbm>>) target_semaphore(%arg13 : memref<!tpu.dma_semaphore, #tpu.memory_space<semaphore_mem>>)
    %add3A_13 = arith.constant 3472 : i32
    %add3A_14 = arith.addi %mul3A_2, %add3A_13 : i32
    %dma_start3A_15 = tpu.memref_slice %arg3[%add3A_14] : memref<1000000xi32, #tpu.memory_space<hbm>> -> memref<3472xi32, #tpu.memory_space<hbm>>
    %dma_start3A_16 = tpu.memref_slice %arg3[%add3A_14] : memref<1000000xi32, #tpu.memory_space<hbm>> -> memref<3472xi32, #tpu.memory_space<hbm>>
    tpu.enqueue_dma source(%arg7 : memref<3472xi32, #tpu.memory_space<vmem>>) target(%dma_start3A_16 : memref<3472xi32, #tpu.memory_space<hbm>>) target_semaphore(%arg13 : memref<!tpu.dma_semaphore, #tpu.memory_space<semaphore_mem>>)
    %add3A_17 = arith.constant 6944 : i32
    %add3A_18 = arith.addi %mul3A_2, %add3A_17 : i32
    %dma_start3A_19 = tpu.memref_slice %arg3[%add3A_18] : memref<1000000xi32, #tpu.memory_space<hbm>> -> memref<3472xi32, #tpu.memory_space<hbm>>
    %dma_start3A_20 = tpu.memref_slice %arg3[%add3A_18] : memref<1000000xi32, #tpu.memory_space<hbm>> -> memref<3472xi32, #tpu.memory_space<hbm>>
    tpu.enqueue_dma source(%arg7 : memref<3472xi32, #tpu.memory_space<vmem>>) target(%dma_start3A_20 : memref<3472xi32, #tpu.memory_space<hbm>>) target_semaphore(%arg13 : memref<!tpu.dma_semaphore, #tpu.memory_space<semaphore_mem>>)
    %add3A_21 = arith.constant 10416 : i32
    %add3A_22 = arith.addi %mul3A_2, %add3A_21 : i32
    %dma_start3A_23 = tpu.memref_slice %arg3[%add3A_22] : memref<1000000xi32, #tpu.memory_space<hbm>> -> memref<3472xi32, #tpu.memory_space<hbm>>
    %dma_start3A_24 = tpu.memref_slice %arg3[%add3A_22] : memref<1000000xi32, #tpu.memory_space<hbm>> -> memref<3472xi32, #tpu.memory_space<hbm>>
    tpu.enqueue_dma source(%arg7 : memref<3472xi32, #tpu.memory_space<vmem>>) target(%dma_start3A_24 : memref<3472xi32, #tpu.memory_space<hbm>>) target_semaphore(%arg13 : memref<!tpu.dma_semaphore, #tpu.memory_space<semaphore_mem>>)
    %add3A_25 = arith.constant 13888 : i32
    %add3A_26 = arith.addi %mul3A_2, %add3A_25 : i32
    %dma_start3A_27 = tpu.memref_slice %arg3[%add3A_26] : memref<1000000xi32, #tpu.memory_space<hbm>> -> memref<3472xi32, #tpu.memory_space<hbm>>
    %dma_start3A_28 = tpu.memref_slice %arg3[%add3A_26] : memref<1000000xi32, #tpu.memory_space<hbm>> -> memref<3472xi32, #tpu.memory_space<hbm>>
    tpu.enqueue_dma source(%arg7 : memref<3472xi32, #tpu.memory_space<vmem>>) target(%dma_start3A_28 : memref<3472xi32, #tpu.memory_space<hbm>>) target_semaphore(%arg13 : memref<!tpu.dma_semaphore, #tpu.memory_space<semaphore_mem>>)
    %add3A_29 = arith.constant 17360 : i32
    %add3A_30 = arith.addi %mul3A_2, %add3A_29 : i32
    %dma_start3A_31 = tpu.memref_slice %arg3[%add3A_30] : memref<1000000xi32, #tpu.memory_space<hbm>> -> memref<3472xi32, #tpu.memory_space<hbm>>
    %dma_start3A_32 = tpu.memref_slice %arg3[%add3A_30] : memref<1000000xi32, #tpu.memory_space<hbm>> -> memref<3472xi32, #tpu.memory_space<hbm>>
    tpu.enqueue_dma source(%arg7 : memref<3472xi32, #tpu.memory_space<vmem>>) target(%dma_start3A_32 : memref<3472xi32, #tpu.memory_space<hbm>>) target_semaphore(%arg13 : memref<!tpu.dma_semaphore, #tpu.memory_space<semaphore_mem>>)
    %add3A_33 = arith.constant 20832 : i32
    %add3A_34 = arith.addi %mul3A_2, %add3A_33 : i32
    %dma_start3A_35 = tpu.memref_slice %arg3[%add3A_34] : memref<1000000xi32, #tpu.memory_space<hbm>> -> memref<3472xi32, #tpu.memory_space<hbm>>
    %dma_start3A_36 = tpu.memref_slice %arg3[%add3A_34] : memref<1000000xi32, #tpu.memory_space<hbm>> -> memref<3472xi32, #tpu.memory_space<hbm>>
    tpu.enqueue_dma source(%arg7 : memref<3472xi32, #tpu.memory_space<vmem>>) target(%dma_start3A_36 : memref<3472xi32, #tpu.memory_space<hbm>>) target_semaphore(%arg13 : memref<!tpu.dma_semaphore, #tpu.memory_space<semaphore_mem>>)
    %add3A_37 = arith.constant 24304 : i32
    %add3A_38 = arith.addi %mul3A_2, %add3A_37 : i32
    %dma_start3A_39 = tpu.memref_slice %arg3[%add3A_38] : memref<1000000xi32, #tpu.memory_space<hbm>> -> memref<3472xi32, #tpu.memory_space<hbm>>
    %dma_start3A_40 = tpu.memref_slice %arg3[%add3A_38] : memref<1000000xi32, #tpu.memory_space<hbm>> -> memref<3472xi32, #tpu.memory_space<hbm>>
    tpu.enqueue_dma source(%arg7 : memref<3472xi32, #tpu.memory_space<vmem>>) target(%dma_start3A_40 : memref<3472xi32, #tpu.memory_space<hbm>>) target_semaphore(%arg13 : memref<!tpu.dma_semaphore, #tpu.memory_space<semaphore_mem>>)
    %add3A_41 = arith.constant 27776 : i32
    %add3A_42 = arith.addi %mul3A_2, %add3A_41 : i32
    %dma_start3A_43 = tpu.memref_slice %arg3[%add3A_42] : memref<1000000xi32, #tpu.memory_space<hbm>> -> memref<3472xi32, #tpu.memory_space<hbm>>
    %dma_start3A_44 = tpu.memref_slice %arg3[%add3A_42] : memref<1000000xi32, #tpu.memory_space<hbm>> -> memref<3472xi32, #tpu.memory_space<hbm>>
    tpu.enqueue_dma source(%arg7 : memref<3472xi32, #tpu.memory_space<vmem>>) target(%dma_start3A_44 : memref<3472xi32, #tpu.memory_space<hbm>>) target_semaphore(%arg13 : memref<!tpu.dma_semaphore, #tpu.memory_space<semaphore_mem>>)
    %eq3A = arith.constant 0 : i32
    %eq3A_45 = arith.cmpi eq, %add3A, %eq3A : i32
    %convert_element_type3A = arith.extui %eq3A_45 : i1 to i32
    %cond3A = arith.constant 0 : i32
    %cond3A_46 = arith.cmpi ne, %convert_element_type3A, %cond3A : i32
    scf.if %cond3A_46 {
      "tpu.region"() ({
        %run_scoped3A = tpu.sem_alloc : memref<!tpu.dma_semaphore, #tpu.memory_space<semaphore_mem>>
        %dma_start3A_106 = arith.constant 0 : i32
        %dma_start3A_107 = tpu.memref_slice %arg7[%dma_start3A_106] : memref<3472xi32, #tpu.memory_space<vmem>> -> memref<64xi32, #tpu.memory_space<vmem>>
        %dma_start3A_108 = arith.constant 999936 : i32
        %dma_start3A_109 = tpu.memref_slice %arg3[%dma_start3A_108] : memref<1000000xi32, #tpu.memory_space<hbm>> -> memref<64xi32, #tpu.memory_space<hbm>>
        %dma_start3A_110 = arith.constant 999936 : i32
        %dma_start3A_111 = tpu.memref_slice %arg3[%dma_start3A_110] : memref<1000000xi32, #tpu.memory_space<hbm>> -> memref<64xi32, #tpu.memory_space<hbm>>
        %dma_start3A_112 = arith.constant 0 : i32
        %dma_start3A_113 = tpu.memref_slice %arg7[%dma_start3A_112] : memref<3472xi32, #tpu.memory_space<vmem>> -> memref<64xi32, #tpu.memory_space<vmem>>
        tpu.enqueue_dma source(%dma_start3A_113 : memref<64xi32, #tpu.memory_space<vmem>>) target(%dma_start3A_111 : memref<64xi32, #tpu.memory_space<hbm>>) target_semaphore(%run_scoped3A : memref<!tpu.dma_semaphore, #tpu.memory_space<semaphore_mem>>)
        %dma_wait3A_114 = arith.constant 0 : i32
        %dma_wait3A_115 = tpu.memref_slice %arg7[%dma_wait3A_114] : memref<3472xi32, #tpu.memory_space<vmem>> -> memref<64xi32, #tpu.memory_space<vmem>>
        %dma_wait3A_116 = arith.constant 999936 : i32
        %dma_wait3A_117 = tpu.memref_slice %arg3[%dma_wait3A_116] : memref<1000000xi32, #tpu.memory_space<hbm>> -> memref<64xi32, #tpu.memory_space<hbm>>
        %dma_wait3A_118 = arith.constant 999936 : i32
        %dma_wait3A_119 = tpu.memref_slice %arg3[%dma_wait3A_118] : memref<1000000xi32, #tpu.memory_space<hbm>> -> memref<64xi32, #tpu.memory_space<hbm>>
        %dma_wait3A_120 = arith.constant 0 : i32
        %dma_wait3A_121 = tpu.memref_slice %arg7[%dma_wait3A_120] : memref<3472xi32, #tpu.memory_space<vmem>> -> memref<64xi32, #tpu.memory_space<vmem>>
        tpu.wait_dma2 semaphore(%run_scoped3A : memref<!tpu.dma_semaphore, #tpu.memory_space<semaphore_mem>>) src(%dma_wait3A_121 : memref<64xi32, #tpu.memory_space<vmem>>) dst(%dma_wait3A_119 : memref<64xi32, #tpu.memory_space<hbm>>)
        tpu.yield
      }) : () -> ()
    } else {
    }
    %dma_wait3A = tpu.memref_slice %arg2[%mul3A_2] : memref<1000000xf32, #tpu.memory_space<hbm>> -> memref<31248xf32, #tpu.memory_space<hbm>>
    %dma_wait3A_47 = tpu.memref_slice %arg2[%mul3A_2] : memref<1000000xf32, #tpu.memory_space<hbm>> -> memref<31248xf32, #tpu.memory_space<hbm>>
    tpu.wait_dma2 semaphore(%arg14 : memref<!tpu.dma_semaphore, #tpu.memory_space<semaphore_mem>>) src(%dma_wait3A_47 : memref<31248xf32, #tpu.memory_space<hbm>>) dst(%arg6 : memref<31248xf32, #tpu.memory_space<vmem>>)
    %iota3A = tpu.iota {dimensions = array<i32: 0>} : vector<16xi32>
    %broadcast_in_dim3A = arith.constant 0xFF800000 : f32
    %broadcast_in_dim3A_48 = vector.broadcast %broadcast_in_dim3A : f32 to vector<16xf32>
    %broadcast_in_dim3A_49 = arith.constant 0 : i32
    %broadcast_in_dim3A_50 = vector.broadcast %broadcast_in_dim3A_49 : i32 to vector<16xi32>
    %add3A_51 = vector.broadcast %mul3A_2 : i32 to vector<16xi32>
    %add3A_52 = arith.addi %add3A_51, %iota3A : vector<16xi32>
    %scan3A_53 = arith.constant 0 : i32
    %scan3A_54 = arith.constant 217 : i32
    %scan3A_55 = arith.addi %scan3A_53, %scan3A_54 : i32
    %scan3A_56 = arith.constant 1 : i32
    %scan3A_57:3 = scf.for %scan3A_106 = %scan3A_53 to %scan3A_55 step %scan3A_56 iter_args(%scan3A_107 = %broadcast_in_dim3A_48, %scan3A_108 = %broadcast_in_dim3A_50, %scan3A_109 = %add3A_52) -> (vector<16xf32>, vector<16xi32>, vector<16xi32>)  : i32 {
      %mul3A_110 = arith.constant 9 : i32
      %mul3A_111 = arith.muli %scan3A_106, %mul3A_110 : i32
      %add3A_112 = arith.constant 0 : i32
      %add3A_113 = arith.addi %mul3A_111, %add3A_112 : i32
      %mul3A_114 = arith.constant 16 : i32
      %mul3A_115 = arith.muli %add3A_113, %mul3A_114 : i32
      %get3A_116 = arith.index_cast %mul3A_115 : i32 to index
      %get3A_117 = tpu.vector_load %arg6[%get3A_116] {strides = array<i32>} : memref<31248xf32, #tpu.memory_space<vmem>>, vector<16xf32>,
      %get3A_118 = vector.shape_cast %get3A_117 : vector<16xf32> to vector<16xf32>
      %gt3A = arith.cmpf ogt, %get3A_118, %scan3A_107 : vector<16xf32>
      %select_n3A = arith.select %gt3A, %get3A_118, %scan3A_107 : vector<16xi1>, vector<16xf32>
      %select_n3A_119 = arith.select %gt3A, %scan3A_109, %scan3A_108 : vector<16xi1>, vector<16xi32>
      %add3A_120 = arith.constant 16 : i32
      %add3A_121 = vector.broadcast %add3A_120 : i32 to vector<16xi32>
      %add3A_122 = arith.addi %scan3A_109, %add3A_121 : vector<16xi32>
      %mul3A_123 = arith.constant 9 : i32
      %mul3A_124 = arith.muli %scan3A_106, %mul3A_123 : i32
      %add3A_125 = arith.constant 1 : i32
      %add3A_126 = arith.addi %mul3A_124, %add3A_125 : i32
      %mul3A_127 = arith.constant 16 : i32
      %mul3A_128 = arith.muli %add3A_126, %mul3A_127 : i32
      %get3A_129 = arith.index_cast %mul3A_128 : i32 to index
      %get3A_130 = tpu.vector_load %arg6[%get3A_129] {strides = array<i32>} : memref<31248xf32, #tpu.memory_space<vmem>>, vector<16xf32>,
      %get3A_131 = vector.shape_cast %get3A_130 : vector<16xf32> to vector<16xf32>
      %gt3A_132 = arith.cmpf ogt, %get3A_131, %select_n3A : vector<16xf32>
      %select_n3A_133 = arith.select %gt3A_132, %get3A_131, %select_n3A : vector<16xi1>, vector<16xf32>
      %select_n3A_134 = arith.select %gt3A_132, %add3A_122, %select_n3A_119 : vector<16xi1>, vector<16xi32>
      %add3A_135 = arith.constant 16 : i32
      %add3A_136 = vector.broadcast %add3A_135 : i32 to vector<16xi32>
      %add3A_137 = arith.addi %add3A_122, %add3A_136 : vector<16xi32>
      %mul3A_138 = arith.constant 9 : i32
      %mul3A_139 = arith.muli %scan3A_106, %mul3A_138 : i32
      %add3A_140 = arith.constant 2 : i32
      %add3A_141 = arith.addi %mul3A_139, %add3A_140 : i32
      %mul3A_142 = arith.constant 16 : i32
      %mul3A_143 = arith.muli %add3A_141, %mul3A_142 : i32
      %get3A_144 = arith.index_cast %mul3A_143 : i32 to index
      %get3A_145 = tpu.vector_load %arg6[%get3A_144] {strides = array<i32>} : memref<31248xf32, #tpu.memory_space<vmem>>, vector<16xf32>,
      %get3A_146 = vector.shape_cast %get3A_145 : vector<16xf32> to vector<16xf32>
      %gt3A_147 = arith.cmpf ogt, %get3A_146, %select_n3A_133 : vector<16xf32>
      %select_n3A_148 = arith.select %gt3A_147, %get3A_146, %select_n3A_133 : vector<16xi1>, vector<16xf32>
      %select_n3A_149 = arith.select %gt3A_147, %add3A_137, %select_n3A_134 : vector<16xi1>, vector<16xi32>
      %add3A_150 = arith.constant 16 : i32
      %add3A_151 = vector.broadcast %add3A_150 : i32 to vector<16xi32>
      %add3A_152 = arith.addi %add3A_137, %add3A_151 : vector<16xi32>
      %mul3A_153 = arith.constant 9 : i32
      %mul3A_154 = arith.muli %scan3A_106, %mul3A_153 : i32
      %add3A_155 = arith.constant 3 : i32
      %add3A_156 = arith.addi %mul3A_154, %add3A_155 : i32
      %mul3A_157 = arith.constant 16 : i32
      %mul3A_158 = arith.muli %add3A_156, %mul3A_157 : i32
      %get3A_159 = arith.index_cast %mul3A_158 : i32 to index
      %get3A_160 = tpu.vector_load %arg6[%get3A_159] {strides = array<i32>} : memref<31248xf32, #tpu.memory_space<vmem>>, vector<16xf32>,
      %get3A_161 = vector.shape_cast %get3A_160 : vector<16xf32> to vector<16xf32>
      %gt3A_162 = arith.cmpf ogt, %get3A_161, %select_n3A_148 : vector<16xf32>
      %select_n3A_163 = arith.select %gt3A_162, %get3A_161, %select_n3A_148 : vector<16xi1>, vector<16xf32>
      %select_n3A_164 = arith.select %gt3A_162, %add3A_152, %select_n3A_149 : vector<16xi1>, vector<16xi32>
      %add3A_165 = arith.constant 16 : i32
      %add3A_166 = vector.broadcast %add3A_165 : i32 to vector<16xi32>
      %add3A_167 = arith.addi %add3A_152, %add3A_166 : vector<16xi32>
      %mul3A_168 = arith.constant 9 : i32
      %mul3A_169 = arith.muli %scan3A_106, %mul3A_168 : i32
      %add3A_170 = arith.constant 4 : i32
      %add3A_171 = arith.addi %mul3A_169, %add3A_170 : i32
      %mul3A_172 = arith.constant 16 : i32
      %mul3A_173 = arith.muli %add3A_171, %mul3A_172 : i32
      %get3A_174 = arith.index_cast %mul3A_173 : i32 to index
      %get3A_175 = tpu.vector_load %arg6[%get3A_174] {strides = array<i32>} : memref<31248xf32, #tpu.memory_space<vmem>>, vector<16xf32>,
      %get3A_176 = vector.shape_cast %get3A_175 : vector<16xf32> to vector<16xf32>
      %gt3A_177 = arith.cmpf ogt, %get3A_176, %select_n3A_163 : vector<16xf32>
      %select_n3A_178 = arith.select %gt3A_177, %get3A_176, %select_n3A_163 : vector<16xi1>, vector<16xf32>
      %select_n3A_179 = arith.select %gt3A_177, %add3A_167, %select_n3A_164 : vector<16xi1>, vector<16xi32>
      %add3A_180 = arith.constant 16 : i32
      %add3A_181 = vector.broadcast %add3A_180 : i32 to vector<16xi32>
      %add3A_182 = arith.addi %add3A_167, %add3A_181 : vector<16xi32>
      %mul3A_183 = arith.constant 9 : i32
      %mul3A_184 = arith.muli %scan3A_106, %mul3A_183 : i32
      %add3A_185 = arith.constant 5 : i32
      %add3A_186 = arith.addi %mul3A_184, %add3A_185 : i32
      %mul3A_187 = arith.constant 16 : i32
      %mul3A_188 = arith.muli %add3A_186, %mul3A_187 : i32
      %get3A_189 = arith.index_cast %mul3A_188 : i32 to index
      %get3A_190 = tpu.vector_load %arg6[%get3A_189] {strides = array<i32>} : memref<31248xf32, #tpu.memory_space<vmem>>, vector<16xf32>,
      %get3A_191 = vector.shape_cast %get3A_190 : vector<16xf32> to vector<16xf32>
      %gt3A_192 = arith.cmpf ogt, %get3A_191, %select_n3A_178 : vector<16xf32>
      %select_n3A_193 = arith.select %gt3A_192, %get3A_191, %select_n3A_178 : vector<16xi1>, vector<16xf32>
      %select_n3A_194 = arith.select %gt3A_192, %add3A_182, %select_n3A_179 : vector<16xi1>, vector<16xi32>
      %add3A_195 = arith.constant 16 : i32
      %add3A_196 = vector.broadcast %add3A_195 : i32 to vector<16xi32>
      %add3A_197 = arith.addi %add3A_182, %add3A_196 : vector<16xi32>
      %mul3A_198 = arith.constant 9 : i32
      %mul3A_199 = arith.muli %scan3A_106, %mul3A_198 : i32
      %add3A_200 = arith.constant 6 : i32
      %add3A_201 = arith.addi %mul3A_199, %add3A_200 : i32
      %mul3A_202 = arith.constant 16 : i32
      %mul3A_203 = arith.muli %add3A_201, %mul3A_202 : i32
      %get3A_204 = arith.index_cast %mul3A_203 : i32 to index
      %get3A_205 = tpu.vector_load %arg6[%get3A_204] {strides = array<i32>} : memref<31248xf32, #tpu.memory_space<vmem>>, vector<16xf32>,
      %get3A_206 = vector.shape_cast %get3A_205 : vector<16xf32> to vector<16xf32>
      %gt3A_207 = arith.cmpf ogt, %get3A_206, %select_n3A_193 : vector<16xf32>
      %select_n3A_208 = arith.select %gt3A_207, %get3A_206, %select_n3A_193 : vector<16xi1>, vector<16xf32>
      %select_n3A_209 = arith.select %gt3A_207, %add3A_197, %select_n3A_194 : vector<16xi1>, vector<16xi32>
      %add3A_210 = arith.constant 16 : i32
      %add3A_211 = vector.broadcast %add3A_210 : i32 to vector<16xi32>
      %add3A_212 = arith.addi %add3A_197, %add3A_211 : vector<16xi32>
      %mul3A_213 = arith.constant 9 : i32
      %mul3A_214 = arith.muli %scan3A_106, %mul3A_213 : i32
      %add3A_215 = arith.constant 7 : i32
      %add3A_216 = arith.addi %mul3A_214, %add3A_215 : i32
      %mul3A_217 = arith.constant 16 : i32
      %mul3A_218 = arith.muli %add3A_216, %mul3A_217 : i32
      %get3A_219 = arith.index_cast %mul3A_218 : i32 to index
      %get3A_220 = tpu.vector_load %arg6[%get3A_219] {strides = array<i32>} : memref<31248xf32, #tpu.memory_space<vmem>>, vector<16xf32>,
      %get3A_221 = vector.shape_cast %get3A_220 : vector<16xf32> to vector<16xf32>
      %gt3A_222 = arith.cmpf ogt, %get3A_221, %select_n3A_208 : vector<16xf32>
      %select_n3A_223 = arith.select %gt3A_222, %get3A_221, %select_n3A_208 : vector<16xi1>, vector<16xf32>
      %select_n3A_224 = arith.select %gt3A_222, %add3A_212, %select_n3A_209 : vector<16xi1>, vector<16xi32>
      %add3A_225 = arith.constant 16 : i32
      %add3A_226 = vector.broadcast %add3A_225 : i32 to vector<16xi32>
      %add3A_227 = arith.addi %add3A_212, %add3A_226 : vector<16xi32>
      %mul3A_228 = arith.constant 9 : i32
      %mul3A_229 = arith.muli %scan3A_106, %mul3A_228 : i32
      %add3A_230 = arith.constant 8 : i32
      %add3A_231 = arith.addi %mul3A_229, %add3A_230 : i32
      %mul3A_232 = arith.constant 16 : i32
      %mul3A_233 = arith.muli %add3A_231, %mul3A_232 : i32
      %get3A_234 = arith.index_cast %mul3A_233 : i32 to index
      %get3A_235 = tpu.vector_load %arg6[%get3A_234] {strides = array<i32>} : memref<31248xf32, #tpu.memory_space<vmem>>, vector<16xf32>,
      %get3A_236 = vector.shape_cast %get3A_235 : vector<16xf32> to vector<16xf32>
      %gt3A_237 = arith.cmpf ogt, %get3A_236, %select_n3A_223 : vector<16xf32>
      %select_n3A_238 = arith.select %gt3A_237, %get3A_236, %select_n3A_223 : vector<16xi1>, vector<16xf32>
      %select_n3A_239 = arith.select %gt3A_237, %add3A_227, %select_n3A_224 : vector<16xi1>, vector<16xi32>
      %add3A_240 = arith.constant 16 : i32
      %add3A_241 = vector.broadcast %add3A_240 : i32 to vector<16xi32>
      %add3A_242 = arith.addi %add3A_227, %add3A_241 : vector<16xi32>
      scf.yield %select_n3A_238, %select_n3A_239, %add3A_242 : vector<16xf32>, vector<16xi32>, vector<16xi32>
    }
    %scan3A_58 = arith.constant 217 : i32
    %swap3A = arith.constant 0 : index
    %swap3A_59 = tpu.vector_load %arg11[%swap3A] {strides = array<i32>} : memref<16xf32, #tpu.memory_space<vmem>>, vector<16xf32>,
    %swap3A_60 = vector.shape_cast %swap3A_59 : vector<16xf32> to vector<16xf32>
    %swap3A_61 = vector.shape_cast %scan3A_57#0 : vector<16xf32> to vector<16xf32>
    tpu.vector_store %arg11[%swap3A], %swap3A_61 {strides = array<i32>} : memref<16xf32, #tpu.memory_space<vmem>>, vector<16xf32>,
    %swap3A_62 = arith.constant 0 : index
    %swap3A_63 = tpu.vector_load %arg12[%swap3A_62] {strides = array<i32>} : memref<16xi32, #tpu.memory_space<vmem>>, vector<16xi32>,
    %swap3A_64 = vector.shape_cast %swap3A_63 : vector<16xi32> to vector<16xi32>
    %swap3A_65 = vector.shape_cast %scan3A_57#1 : vector<16xi32> to vector<16xi32>
    tpu.vector_store %arg12[%swap3A_62], %swap3A_65 {strides = array<i32>} : memref<16xi32, #tpu.memory_space<vmem>>, vector<16xi32>,
    %eq3A_66 = arith.constant 0 : i32
    %eq3A_67 = arith.cmpi eq, %add3A, %eq3A_66 : i32
    %convert_element_type3A_68 = arith.extui %eq3A_67 : i1 to i32
    %cond3A_69 = arith.constant 0 : i32
    %cond3A_70 = arith.cmpi ne, %convert_element_type3A_68, %cond3A_69 : i32
    scf.if %cond3A_70 {
      "tpu.region"() ({
        %run_scoped3A = tpu.sem_alloc : memref<!tpu.dma_semaphore, #tpu.memory_space<semaphore_mem>>
        %dma_start3A_157 = arith.constant 999936 : i32
        %dma_start3A_158 = tpu.memref_slice %arg2[%dma_start3A_157] : memref<1000000xf32, #tpu.memory_space<hbm>> -> memref<64xf32, #tpu.memory_space<hbm>>
        %dma_start3A_159 = arith.constant 999936 : i32
        %dma_start3A_160 = tpu.memref_slice %arg2[%dma_start3A_159] : memref<1000000xf32, #tpu.memory_space<hbm>> -> memref<64xf32, #tpu.memory_space<hbm>>
        tpu.enqueue_dma source(%dma_start3A_160 : memref<64xf32, #tpu.memory_space<hbm>>) target(%arg8 : memref<64xf32, #tpu.memory_space<vmem>>) target_semaphore(%run_scoped3A : memref<!tpu.dma_semaphore, #tpu.memory_space<semaphore_mem>>)
        %dma_wait3A_161 = arith.constant 999936 : i32
        %dma_wait3A_162 = tpu.memref_slice %arg2[%dma_wait3A_161] : memref<1000000xf32, #tpu.memory_space<hbm>> -> memref<64xf32, #tpu.memory_space<hbm>>
        %dma_wait3A_163 = arith.constant 999936 : i32
        %dma_wait3A_164 = tpu.memref_slice %arg2[%dma_wait3A_163] : memref<1000000xf32, #tpu.memory_space<hbm>> -> memref<64xf32, #tpu.memory_space<hbm>>
        tpu.wait_dma2 semaphore(%run_scoped3A : memref<!tpu.dma_semaphore, #tpu.memory_space<semaphore_mem>>) src(%dma_wait3A_164 : memref<64xf32, #tpu.memory_space<hbm>>) dst(%arg8 : memref<64xf32, #tpu.memory_space<vmem>>)
        tpu.yield
      }) : () -> ()
      %get3A_106 = arith.constant 0 : index
      %get3A_107 = tpu.vector_load %arg11[%get3A_106] {strides = array<i32>} : memref<16xf32, #tpu.memory_space<vmem>>, vector<16xf32>,
      %get3A_108 = vector.shape_cast %get3A_107 : vector<16xf32> to vector<16xf32>
      %get3A_109 = arith.constant 0 : index
      %get3A_110 = tpu.vector_load %arg12[%get3A_109] {strides = array<i32>} : memref<16xi32, #tpu.memory_space<vmem>>, vector<16xi32>,
      %get3A_111 = vector.shape_cast %get3A_110 : vector<16xi32> to vector<16xi32>
      %add3A_112 = arith.constant 999936 : i32
      %add3A_113 = vector.broadcast %add3A_112 : i32 to vector<16xi32>
      %add3A_114 = arith.addi %add3A_113, %iota3A : vector<16xi32>
      %get3A_115 = arith.constant 0 : index
      %get3A_116 = tpu.vector_load %arg8[%get3A_115] {strides = array<i32>} : memref<64xf32, #tpu.memory_space<vmem>>, vector<16xf32>,
      %get3A_117 = vector.shape_cast %get3A_116 : vector<16xf32> to vector<16xf32>
      %gt3A = arith.cmpf ogt, %get3A_117, %get3A_108 : vector<16xf32>
      %select_n3A = arith.select %gt3A, %get3A_117, %get3A_108 : vector<16xi1>, vector<16xf32>
      %select_n3A_118 = arith.select %gt3A, %add3A_114, %get3A_111 : vector<16xi1>, vector<16xi32>
      %add3A_119 = arith.constant 16 : i32
      %add3A_120 = vector.broadcast %add3A_119 : i32 to vector<16xi32>
      %add3A_121 = arith.addi %add3A_114, %add3A_120 : vector<16xi32>
      %get3A_122 = arith.constant 16 : index
      %get3A_123 = tpu.vector_load %arg8[%get3A_122] {strides = array<i32>} : memref<64xf32, #tpu.memory_space<vmem>>, vector<16xf32>,
      %get3A_124 = vector.shape_cast %get3A_123 : vector<16xf32> to vector<16xf32>
      %gt3A_125 = arith.cmpf ogt, %get3A_124, %select_n3A : vector<16xf32>
      %select_n3A_126 = arith.select %gt3A_125, %get3A_124, %select_n3A : vector<16xi1>, vector<16xf32>
      %select_n3A_127 = arith.select %gt3A_125, %add3A_121, %select_n3A_118 : vector<16xi1>, vector<16xi32>
      %add3A_128 = arith.constant 16 : i32
      %add3A_129 = vector.broadcast %add3A_128 : i32 to vector<16xi32>
      %add3A_130 = arith.addi %add3A_121, %add3A_129 : vector<16xi32>
      %get3A_131 = arith.constant 32 : index
      %get3A_132 = tpu.vector_load %arg8[%get3A_131] {strides = array<i32>} : memref<64xf32, #tpu.memory_space<vmem>>, vector<16xf32>,
      %get3A_133 = vector.shape_cast %get3A_132 : vector<16xf32> to vector<16xf32>
      %gt3A_134 = arith.cmpf ogt, %get3A_133, %select_n3A_126 : vector<16xf32>
      %select_n3A_135 = arith.select %gt3A_134, %get3A_133, %select_n3A_126 : vector<16xi1>, vector<16xf32>
      %select_n3A_136 = arith.select %gt3A_134, %add3A_130, %select_n3A_127 : vector<16xi1>, vector<16xi32>
      %add3A_137 = arith.constant 16 : i32
      %add3A_138 = vector.broadcast %add3A_137 : i32 to vector<16xi32>
      %add3A_139 = arith.addi %add3A_130, %add3A_138 : vector<16xi32>
      %get3A_140 = arith.constant 48 : index
      %get3A_141 = tpu.vector_load %arg8[%get3A_140] {strides = array<i32>} : memref<64xf32, #tpu.memory_space<vmem>>, vector<16xf32>,
      %get3A_142 = vector.shape_cast %get3A_141 : vector<16xf32> to vector<16xf32>
      %gt3A_143 = arith.cmpf ogt, %get3A_142, %select_n3A_135 : vector<16xf32>
      %select_n3A_144 = arith.select %gt3A_143, %get3A_142, %select_n3A_135 : vector<16xi1>, vector<16xf32>
      %select_n3A_145 = arith.select %gt3A_143, %add3A_139, %select_n3A_136 : vector<16xi1>, vector<16xi32>
      %add3A_146 = arith.constant 16 : i32
      %add3A_147 = vector.broadcast %add3A_146 : i32 to vector<16xi32>
      %add3A_148 = arith.addi %add3A_139, %add3A_147 : vector<16xi32>
      %swap3A_149 = arith.constant 0 : index
      %swap3A_150 = tpu.vector_load %arg11[%swap3A_149] {strides = array<i32>} : memref<16xf32, #tpu.memory_space<vmem>>, vector<16xf32>,
      %swap3A_151 = vector.shape_cast %swap3A_150 : vector<16xf32> to vector<16xf32>
      %swap3A_152 = vector.shape_cast %select_n3A_144 : vector<16xf32> to vector<16xf32>
      tpu.vector_store %arg11[%swap3A_149], %swap3A_152 {strides = array<i32>} : memref<16xf32, #tpu.memory_space<vmem>>, vector<16xf32>,
      %swap3A_153 = arith.constant 0 : index
      %swap3A_154 = tpu.vector_load %arg12[%swap3A_153] {strides = array<i32>} : memref<16xi32, #tpu.memory_space<vmem>>, vector<16xi32>,
      %swap3A_155 = vector.shape_cast %swap3A_154 : vector<16xi32> to vector<16xi32>
      %swap3A_156 = vector.shape_cast %select_n3A_145 : vector<16xi32> to vector<16xi32>
      tpu.vector_store %arg12[%swap3A_153], %swap3A_156 {strides = array<i32>} : memref<16xi32, #tpu.memory_space<vmem>>, vector<16xi32>,
    } else {
    }
    %get3A = arith.constant 0 : index
    %get3A_71 = tpu.vector_load %arg11[%get3A] {strides = array<i32>} : memref<16xf32, #tpu.memory_space<vmem>>, vector<16xf32>,
    %get3A_72 = vector.shape_cast %get3A_71 : vector<16xf32> to vector<16xf32>
    %swap3A_73 = arith.constant 0 : index
    %swap3A_74 = tpu.vector_load %arg9[%swap3A_73] {strides = array<i32>} : memref<16xf32, #tpu.memory_space<vmem>>, vector<16xf32>,
    %swap3A_75 = vector.shape_cast %swap3A_74 : vector<16xf32> to vector<16xf32>
    %swap3A_76 = vector.shape_cast %get3A_72 : vector<16xf32> to vector<16xf32>
    tpu.vector_store %arg9[%swap3A_73], %swap3A_76 {strides = array<i32>} : memref<16xf32, #tpu.memory_space<vmem>>, vector<16xf32>,
    %get3A_77 = arith.constant 0 : index
    %get3A_78 = tpu.vector_load %arg12[%get3A_77] {strides = array<i32>} : memref<16xi32, #tpu.memory_space<vmem>>, vector<16xi32>,
    %get3A_79 = vector.shape_cast %get3A_78 : vector<16xi32> to vector<16xi32>
    %swap3A_80 = arith.constant 0 : index
    %swap3A_81 = tpu.vector_load %arg10[%swap3A_80] {strides = array<i32>} : memref<16xi32, #tpu.memory_space<vmem>>, vector<16xi32>,
    %swap3A_82 = vector.shape_cast %swap3A_81 : vector<16xi32> to vector<16xi32>
    %swap3A_83 = vector.shape_cast %get3A_79 : vector<16xi32> to vector<16xi32>
    tpu.vector_store %arg10[%swap3A_80], %swap3A_83 {strides = array<i32>} : memref<16xi32, #tpu.memory_space<vmem>>, vector<16xi32>,
    %mul3A_84 = arith.constant 16 : i32
    %mul3A_85 = arith.muli %add3A, %mul3A_84 : i32
    "tpu.region"() ({
      %run_scoped3A = tpu.sem_alloc : memref<!tpu.dma_semaphore, #tpu.memory_space<semaphore_mem>>
      %dma_start3A_106 = tpu.memref_slice %arg4[%mul3A_85] : memref<512xf32, #tpu.memory_space<hbm>> -> memref<16xf32, #tpu.memory_space<hbm>>
      %dma_start3A_107 = tpu.memref_slice %arg4[%mul3A_85] : memref<512xf32, #tpu.memory_space<hbm>> -> memref<16xf32, #tpu.memory_space<hbm>>
      tpu.enqueue_dma source(%arg9 : memref<16xf32, #tpu.memory_space<vmem>>) target(%dma_start3A_107 : memref<16xf32, #tpu.memory_space<hbm>>) target_semaphore(%run_scoped3A : memref<!tpu.dma_semaphore, #tpu.memory_space<semaphore_mem>>)
      %dma_wait3A_108 = tpu.memref_slice %arg4[%mul3A_85] : memref<512xf32, #tpu.memory_space<hbm>> -> memref<16xf32, #tpu.memory_space<hbm>>
      %dma_wait3A_109 = tpu.memref_slice %arg4[%mul3A_85] : memref<512xf32, #tpu.memory_space<hbm>> -> memref<16xf32, #tpu.memory_space<hbm>>
      tpu.wait_dma2 semaphore(%run_scoped3A : memref<!tpu.dma_semaphore, #tpu.memory_space<semaphore_mem>>) src(%arg9 : memref<16xf32, #tpu.memory_space<vmem>>) dst(%dma_wait3A_109 : memref<16xf32, #tpu.memory_space<hbm>>)
      tpu.yield
    }) : () -> ()
    %mul3A_86 = arith.constant 16 : i32
    %mul3A_87 = arith.muli %add3A, %mul3A_86 : i32
    "tpu.region"() ({
      %run_scoped3A = tpu.sem_alloc : memref<!tpu.dma_semaphore, #tpu.memory_space<semaphore_mem>>
      %dma_start3A_106 = tpu.memref_slice %arg5[%mul3A_87] : memref<512xi32, #tpu.memory_space<hbm>> -> memref<16xi32, #tpu.memory_space<hbm>>
      %dma_start3A_107 = tpu.memref_slice %arg5[%mul3A_87] : memref<512xi32, #tpu.memory_space<hbm>> -> memref<16xi32, #tpu.memory_space<hbm>>
      tpu.enqueue_dma source(%arg10 : memref<16xi32, #tpu.memory_space<vmem>>) target(%dma_start3A_107 : memref<16xi32, #tpu.memory_space<hbm>>) target_semaphore(%run_scoped3A : memref<!tpu.dma_semaphore, #tpu.memory_space<semaphore_mem>>)
      %dma_wait3A_108 = tpu.memref_slice %arg5[%mul3A_87] : memref<512xi32, #tpu.memory_space<hbm>> -> memref<16xi32, #tpu.memory_space<hbm>>
      %dma_wait3A_109 = tpu.memref_slice %arg5[%mul3A_87] : memref<512xi32, #tpu.memory_space<hbm>> -> memref<16xi32, #tpu.memory_space<hbm>>
      tpu.wait_dma2 semaphore(%run_scoped3A : memref<!tpu.dma_semaphore, #tpu.memory_space<semaphore_mem>>) src(%arg10 : memref<16xi32, #tpu.memory_space<vmem>>) dst(%dma_wait3A_109 : memref<16xi32, #tpu.memory_space<hbm>>)
      tpu.yield
    }) : () -> ()
    %dma_wait3A_88 = tpu.memref_slice %arg3[%add3A_10] : memref<1000000xi32, #tpu.memory_space<hbm>> -> memref<3472xi32, #tpu.memory_space<hbm>>
    %dma_wait3A_89 = tpu.memref_slice %arg3[%add3A_10] : memref<1000000xi32, #tpu.memory_space<hbm>> -> memref<3472xi32, #tpu.memory_space<hbm>>
    tpu.wait_dma2 semaphore(%arg13 : memref<!tpu.dma_semaphore, #tpu.memory_space<semaphore_mem>>) src(%arg7 : memref<3472xi32, #tpu.memory_space<vmem>>) dst(%dma_wait3A_89 : memref<3472xi32, #tpu.memory_space<hbm>>)
    %dma_wait3A_90 = tpu.memref_slice %arg3[%add3A_14] : memref<1000000xi32, #tpu.memory_space<hbm>> -> memref<3472xi32, #tpu.memory_space<hbm>>
    %dma_wait3A_91 = tpu.memref_slice %arg3[%add3A_14] : memref<1000000xi32, #tpu.memory_space<hbm>> -> memref<3472xi32, #tpu.memory_space<hbm>>
    tpu.wait_dma2 semaphore(%arg13 : memref<!tpu.dma_semaphore, #tpu.memory_space<semaphore_mem>>) src(%arg7 : memref<3472xi32, #tpu.memory_space<vmem>>) dst(%dma_wait3A_91 : memref<3472xi32, #tpu.memory_space<hbm>>)
    %dma_wait3A_92 = tpu.memref_slice %arg3[%add3A_18] : memref<1000000xi32, #tpu.memory_space<hbm>> -> memref<3472xi32, #tpu.memory_space<hbm>>
    %dma_wait3A_93 = tpu.memref_slice %arg3[%add3A_18] : memref<1000000xi32, #tpu.memory_space<hbm>> -> memref<3472xi32, #tpu.memory_space<hbm>>
    tpu.wait_dma2 semaphore(%arg13 : memref<!tpu.dma_semaphore, #tpu.memory_space<semaphore_mem>>) src(%arg7 : memref<3472xi32, #tpu.memory_space<vmem>>) dst(%dma_wait3A_93 : memref<3472xi32, #tpu.memory_space<hbm>>)
    %dma_wait3A_94 = tpu.memref_slice %arg3[%add3A_22] : memref<1000000xi32, #tpu.memory_space<hbm>> -> memref<3472xi32, #tpu.memory_space<hbm>>
    %dma_wait3A_95 = tpu.memref_slice %arg3[%add3A_22] : memref<1000000xi32, #tpu.memory_space<hbm>> -> memref<3472xi32, #tpu.memory_space<hbm>>
    tpu.wait_dma2 semaphore(%arg13 : memref<!tpu.dma_semaphore, #tpu.memory_space<semaphore_mem>>) src(%arg7 : memref<3472xi32, #tpu.memory_space<vmem>>) dst(%dma_wait3A_95 : memref<3472xi32, #tpu.memory_space<hbm>>)
    %dma_wait3A_96 = tpu.memref_slice %arg3[%add3A_26] : memref<1000000xi32, #tpu.memory_space<hbm>> -> memref<3472xi32, #tpu.memory_space<hbm>>
    %dma_wait3A_97 = tpu.memref_slice %arg3[%add3A_26] : memref<1000000xi32, #tpu.memory_space<hbm>> -> memref<3472xi32, #tpu.memory_space<hbm>>
    tpu.wait_dma2 semaphore(%arg13 : memref<!tpu.dma_semaphore, #tpu.memory_space<semaphore_mem>>) src(%arg7 : memref<3472xi32, #tpu.memory_space<vmem>>) dst(%dma_wait3A_97 : memref<3472xi32, #tpu.memory_space<hbm>>)
    %dma_wait3A_98 = tpu.memref_slice %arg3[%add3A_30] : memref<1000000xi32, #tpu.memory_space<hbm>> -> memref<3472xi32, #tpu.memory_space<hbm>>
    %dma_wait3A_99 = tpu.memref_slice %arg3[%add3A_30] : memref<1000000xi32, #tpu.memory_space<hbm>> -> memref<3472xi32, #tpu.memory_space<hbm>>
    tpu.wait_dma2 semaphore(%arg13 : memref<!tpu.dma_semaphore, #tpu.memory_space<semaphore_mem>>) src(%arg7 : memref<3472xi32, #tpu.memory_space<vmem>>) dst(%dma_wait3A_99 : memref<3472xi32, #tpu.memory_space<hbm>>)
    %dma_wait3A_100 = tpu.memref_slice %arg3[%add3A_34] : memref<1000000xi32, #tpu.memory_space<hbm>> -> memref<3472xi32, #tpu.memory_space<hbm>>
    %dma_wait3A_101 = tpu.memref_slice %arg3[%add3A_34] : memref<1000000xi32, #tpu.memory_space<hbm>> -> memref<3472xi32, #tpu.memory_space<hbm>>
    tpu.wait_dma2 semaphore(%arg13 : memref<!tpu.dma_semaphore, #tpu.memory_space<semaphore_mem>>) src(%arg7 : memref<3472xi32, #tpu.memory_space<vmem>>) dst(%dma_wait3A_101 : memref<3472xi32, #tpu.memory_space<hbm>>)
    %dma_wait3A_102 = tpu.memref_slice %arg3[%add3A_38] : memref<1000000xi32, #tpu.memory_space<hbm>> -> memref<3472xi32, #tpu.memory_space<hbm>>
    %dma_wait3A_103 = tpu.memref_slice %arg3[%add3A_38] : memref<1000000xi32, #tpu.memory_space<hbm>> -> memref<3472xi32, #tpu.memory_space<hbm>>
    tpu.wait_dma2 semaphore(%arg13 : memref<!tpu.dma_semaphore, #tpu.memory_space<semaphore_mem>>) src(%arg7 : memref<3472xi32, #tpu.memory_space<vmem>>) dst(%dma_wait3A_103 : memref<3472xi32, #tpu.memory_space<hbm>>)
    %dma_wait3A_104 = tpu.memref_slice %arg3[%add3A_42] : memref<1000000xi32, #tpu.memory_space<hbm>> -> memref<3472xi32, #tpu.memory_space<hbm>>
    %dma_wait3A_105 = tpu.memref_slice %arg3[%add3A_42] : memref<1000000xi32, #tpu.memory_space<hbm>> -> memref<3472xi32, #tpu.memory_space<hbm>>
    tpu.wait_dma2 semaphore(%arg13 : memref<!tpu.dma_semaphore, #tpu.memory_space<semaphore_mem>>) src(%arg7 : memref<3472xi32, #tpu.memory_space<vmem>>) dst(%dma_wait3A_105 : memref<3472xi32, #tpu.memory_space<hbm>>)
    return
  }
}

module attributes {stable_mosaic.version = 14 : i64} {
  func.func @_patch_body(%arg0: memref<1000000xi32, #tpu.memory_space<any>>, %arg1: memref<512xf32, #tpu.memory_space<vmem>>, %arg2: memref<512xi32, #tpu.memory_space<vmem>>, %arg3: memref<1000000xi32, #tpu.memory_space<any>>, %arg4: memref<512xi32, #tpu.memory_space<vmem>>, %arg5: memref<!tpu.dma_semaphore, #tpu.memory_space<semaphore_mem>>) attributes {dimension_semantics = [], scalar_prefetch = 0 : i64, scratch_operands = 2 : i64, tpu.core_type = #tpu.core_type<tc>} {
    %get3A = arith.constant 0 : index
    %get3A_0 = vector.load %arg1[%get3A] : memref<512xf32, #tpu.memory_space<vmem>>, vector<512xf32>
    %get3A_1 = arith.constant 0 : index
    %get3A_2 = vector.load %arg2[%get3A_1] : memref<512xi32, #tpu.memory_space<vmem>>, vector<512xi32>
    %reduce_max3A = vector.shape_cast %get3A_0 : vector<512xf32> to vector<1x512xf32>
    %reduce_max3A_3 = arith.constant dense<0xFF800000> : vector<1xf32>
    %reduce_max3A_4 = vector.multi_reduction <maximumf>, %reduce_max3A, %reduce_max3A_3 [1] : vector<1x512xf32> to vector<1xf32>
    %reduce_max3A_5 = vector.shape_cast %reduce_max3A_4 : vector<1xf32> to vector<1x1xf32>
    %reduce_max3A_6 = vector.extract %reduce_max3A_5[0, 0] : f32 from vector<1x1xf32>
    %eq3A = vector.broadcast %reduce_max3A_6 : f32 to vector<512xf32>
    %eq3A_7 = arith.cmpf oeq, %get3A_0, %eq3A : vector<512xf32>
    %jit3A = arith.constant 1073741824 : i32
    %broadcast_in_dim3A = vector.broadcast %jit3A : i32 to vector<512xi32>
    %select_n3A = arith.select %eq3A_7, %get3A_2, %broadcast_in_dim3A : vector<512xi1>, vector<512xi32>
    %reduce_min3A = vector.shape_cast %select_n3A : vector<512xi32> to vector<1x512xi32>
    %reduce_min3A_8 = arith.constant dense<2147483647> : vector<1xi32>
    %reduce_min3A_9 = vector.multi_reduction <minsi>, %reduce_min3A, %reduce_min3A_8 [1] : vector<1x512xi32> to vector<1xi32>
    %reduce_min3A_10 = vector.shape_cast %reduce_min3A_9 : vector<1xi32> to vector<1x1xi32>
    %reduce_min3A_11 = vector.extract %reduce_min3A_10[0, 0] : i32 from vector<1x1xi32>
    %jit3A_12 = arith.constant 512 : i32
    %div3A = arith.divsi %reduce_min3A_11, %jit3A_12 : i32
    %sign3A = arith.constant 0 : i32
    %sign3A_13 = arith.cmpi sgt, %reduce_min3A_11, %sign3A : i32
    %sign3A_14 = arith.extui %sign3A_13 : i1 to i32
    %sign3A_15 = arith.constant 0 : i32
    %sign3A_16 = arith.cmpi slt, %reduce_min3A_11, %sign3A_15 : i32
    %sign3A_17 = arith.extui %sign3A_16 : i1 to i32
    %sign3A_18 = arith.subi %sign3A_14, %sign3A_17 : i32
    %sign3A_19 = arith.constant 0 : i32
    %sign3A_20 = arith.cmpi sgt, %jit3A_12, %sign3A_19 : i32
    %sign3A_21 = arith.extui %sign3A_20 : i1 to i32
    %sign3A_22 = arith.constant 0 : i32
    %sign3A_23 = arith.cmpi slt, %jit3A_12, %sign3A_22 : i32
    %sign3A_24 = arith.extui %sign3A_23 : i1 to i32
    %sign3A_25 = arith.subi %sign3A_21, %sign3A_24 : i32
    %ne3A = arith.cmpi ne, %sign3A_18, %sign3A_25 : i32
    %rem3A = arith.remsi %reduce_min3A_11, %jit3A_12 : i32
    %ne3A_26 = arith.constant 0 : i32
    %ne3A_27 = arith.cmpi ne, %rem3A, %ne3A_26 : i32
    %and3A = arith.andi %ne3A, %ne3A_27 : i1
    %sub3A = arith.constant 1 : i32
    %sub3A_28 = arith.subi %div3A, %sub3A : i32
    %select_n3A_29 = arith.select %and3A, %sub3A_28, %div3A : i32
    %mul3A = arith.constant 512 : i32
    %mul3A_30 = arith.muli %select_n3A_29, %mul3A : i32
    %sub3A_31 = arith.subi %reduce_min3A_11, %mul3A_30 : i32
    %iota3A = tpu.iota {dimensions = array<i32: 1>} : vector<1x512xi32>
    %iota3A_32 = vector.shape_cast %iota3A : vector<1x512xi32> to vector<512xi32>
    %eq3A_33 = vector.broadcast %sub3A_31 : i32 to vector<512xi32>
    %eq3A_34 = arith.cmpi eq, %iota3A_32, %eq3A_33 : vector<512xi32>
    %convert_element_type3A = arith.extui %eq3A_34 : vector<512xi1> to vector<512xi32>
    %swap3A = arith.constant 0 : index
    %swap3A_35 = vector.load %arg4[%swap3A] : memref<512xi32, #tpu.memory_space<vmem>>, vector<512xi32>
    tpu.vector_store %arg4[%swap3A], %convert_element_type3A {strides = array<i32>} : memref<512xi32, #tpu.memory_space<vmem>>, vector<512xi32>,
    %dma_start3A = tpu.memref_slice %arg3[%mul3A_30] : memref<1000000xi32, #tpu.memory_space<any>> -> memref<512xi32, #tpu.memory_space<any>>
    tpu.enqueue_dma source(%arg4 : memref<512xi32, #tpu.memory_space<vmem>>) target(%dma_start3A : memref<512xi32, #tpu.memory_space<any>>) target_semaphore(%arg5 : memref<!tpu.dma_semaphore, #tpu.memory_space<semaphore_mem>>)
    %dma_wait3A = tpu.memref_slice %arg3[%mul3A_30] : memref<1000000xi32, #tpu.memory_space<any>> -> memref<512xi32, #tpu.memory_space<any>>
    tpu.wait_dma2 semaphore(%arg5 : memref<!tpu.dma_semaphore, #tpu.memory_space<semaphore_mem>>) src(%arg4 : memref<512xi32, #tpu.memory_space<vmem>>) dst(%dma_wait3A : memref<512xi32, #tpu.memory_space<any>>)
    return
  }
}

</mosaic_0001>

<sc_bundles>
// kernel: kernel.4.cloned.1.call-start
scs
__scs_entry_jumppad:
0x0: {  	(pc) =	sbr.rel $0x88, $3  }
0x1: {  	(tag) =	ssettag $0x0;
	lr =	simm.s32 $0x1  }
0x2: {  	[smem:$0x3FA0] =	sst lr;
	_ =	strace $0xD0000000  }
0x3: {  	_ = 	snop  }
0x4: {  	_ = 	snop  }
0x5: {  	_ = 	snop  }
0x6: {  	_ = 	snop  }
0x7: {  	_ = 	snop  }
__scs_overlays_trampoline_lowered:
0x8: {  	[smem:$0x3FAF] =	sst s0  }
0x9: {  	[smem:$0x3FB0] =	sst s1  }
0xa: {  	[smem:$0x3FB1] =	sst s2  }
0xb: {  	[smem:$0x3FB2] =	sst s3  }
0xc: {  	[smem:$0x3FB3] =	sst s4  }
0xd: {  	[smem:$0x3FB4] =	sst s5  }
0xe: {  	[smem:$0x3FB5] =	sst s6  }
0xf: {  	[smem:$0x3FB6] =	sst s7  }
0x10: {  	[smem:$0x3FB7] =	sst s8  }
0x11: {  	[smem:$0x3FB8] =	sst s9;
	s0 =	simm.s32 @!p0 $0x0  }
0x12: {  	s1 =	sld [smem:$0x3F9E];
	s0 =	simm.s32 @p0 $0x1  }
0x13: {  	[smem:$0x3FB9] =	sst s0;
	s0 =	simm.s32 @!p1 $0x0  }
0x14: {  	s2 =	sld [smem:$0x3F9D];
	s0 =	simm.s32 @p1 $0x1  }
0x15: {  	[smem:$0x3FBA] =	sst s0;
	s0 =	simm.s32 @!p2 $0x0  }
0x16: {  	s3 =	sld [smem:$0x3FDB];
	s0 =	simm.s32 @p2 $0x1  }
0x17: {  	s4 =	simm.s32 $0x1BF5;
	[smem:$0x3FBC] =	sst s0  }
0x18: {  	s0 =	sld [smem:$0x3F9F];
	_ =	swait.ge [sflag:s4], $0x0  }
0x19: {  	s7 =	sld [smem:$0x3FA0]  }
0x1a: {  	s8 =	sadd.s32 $0xFFFFE003, lr  }
0x1b: {  	s9 =	sadd.s32 $0xFFFFFEF7, lr;
	s5 =	simm.s32 $0xFFFFFFFF;
	p2 =	slt.u32 s8, $0xFFFFF086  }
0x1c: {  	p1 =	slt.u32 s9, $0xF7A;
	s5 =	simm.s32 @!p2 $0x0  }
0x1d: {  	s5 =	simm.s32 @p1 $0x1;
	p0 =	seq.s32 s7, s2  }
0x1e: {  	s7 =	smul.u32 @!p0 $0xF7A, s2;
	p2 =	seq.s32 @!p0 s5, $0x0  }
0x1f: {  	s9 =	smul.u32 $0xF7A, s1;
	s8 =	simm.s32 @!p0 $0x1BF5;
	p2 =	por !p2, p0  }
0x20: {  	[sflag:s8] =	ssyncset.s32 @!p0 $0xFFFFF086;
	s6 =	sadd.s32 @!p0 s3, s7;
	s7 =	simm.s32 @!p0 $0x108  }
0x21: {  	s3 =	sadd.s32 s3, s9;
	s6 =	sadd.s32 @!p0 $0x88, s6;
	s7 =	simm.s32 @p2 $0x1082  }
0x22: {  	[simem:s7], [sflag:s8] =	dma.local @!p0 [hbm:s6], $0xF7A  }
0x23: {  	s9 =	sor.u32 $0xD0000000, s2;
	s6 =	simm.s32 $0x108;
	_ =	swait.ge @!p0 [sflag:s8], $0x0  }
0x24: {  	s3 =	sadd.s32 $0x88, s3;
	s6 =	simm.s32 @!p1 $0x1082;
	[sflag:s4] =	ssyncset.s32 $0xFFFFF086  }
0x25: {  	[simem:s6], [sflag:s4] =	dma.local [hbm:s3], $0xF7A  }
0x26: {  	[smem:$0x3FA0] =	sst s1;
	(tag) =	ssettag s2;
	_ =	strace s9  }
0x27: {  	s1 =	sld [smem:$0x3FB0]  }
0x28: {  	s2 =	sld [smem:$0x3FB1]  }
0x29: {  	s4 =	sld [smem:$0x3FB3]  }
0x2a: {  	p0 =	seq.s32 s5, $0x0;
	s5 =	sld [smem:$0x3FB4]  }
0x2b: {  	s6 =	sld [smem:$0x3FB5]  }
0x2c: {  	s7 =	sld [smem:$0x3FB6]  }
0x2d: {  	s3 =	simm.s32 $0x108;
	s8 =	sld [smem:$0x3FB7]  }
0x2e: {  	s3 =	simm.s32 @!p0 $0x1082;
	s9 =	sld [smem:$0x3FB8]  }
0x2f: {  	lr =	sadd.s32 s0, s3;
	s0 =	sld [smem:$0x3FAF]  }
0x30: {  	s3 =	sld [smem:$0x3FB2]  }
0x31: {  	[smem:$0x3FBB] =	sst s10  }
0x32: {  	s10 =	sld [smem:$0x3FB9];
	_ =	sdelay $0x3  }
0x33: {  	p0 =	seq.s32 s10, $0x1;
	s10 =	sld [smem:$0x3FBB];
	_ =	sdelay $0x3  }
0x34: {  	[smem:$0x3FBB] =	sst s10  }
0x35: {  	s10 =	sld [smem:$0x3FBA];
	_ =	sdelay $0x3  }
0x36: {  	p1 =	seq.s32 s10, $0x1;
	s10 =	sld [smem:$0x3FBB];
	_ =	sdelay $0x3  }
0x37: {  	[smem:$0x3FBB] =	sst s10  }
0x38: {  	s10 =	sld [smem:$0x3FBC]  }
0x39: {  	_ = 	snop;
	(pc) =	sbr.ind lr, $3  }
0x3a: {  	_ = 	snop  }
0x3b: {  	_ = 	snop  }
0x3c: {  	p2 =	seq.s32 s10, $0x1;
	s10 =	sld [smem:$0x3FBB]  }
0x3d: {  	_ =	shalt  }
0x3e: {  	_ =	shalt  }
0x3f: {  	_ =	shalt  }
0x40: {  	_ =	shalt  }
0x41: {  	_ =	shalt  }
0x42: {  	_ =	shalt  }
0x43: {  	_ =	shalt  }
0x44: {  	_ =	shalt  }
0x45: {  	_ =	shalt  }
0x46: {  	_ =	shalt  }
0x47: {  	_ =	shalt  }
0x48: {  	_ =	shalt  }
0x49: {  	_ =	shalt  }
0x4a: {  	_ =	shalt  }
0x4b: {  	_ =	shalt  }
0x4c: {  	_ =	shalt  }
0x4d: {  	_ =	shalt  }
0x4e: {  	_ =	shalt  }
0x4f: {  	_ =	shalt  }
0x50: {  	_ =	shalt  }
0x51: {  	_ =	shalt  }
0x52: {  	_ =	shalt  }
0x53: {  	_ =	shalt  }
0x54: {  	_ =	shalt  }
0x55: {  	_ =	shalt  }
0x56: {  	_ =	shalt  }
0x57: {  	_ =	shalt  }
0x58: {  	_ =	shalt  }
0x59: {  	_ =	shalt  }
0x5a: {  	_ =	shalt  }
0x5b: {  	_ =	shalt  }
0x5c: {  	_ =	shalt  }
0x5d: {  	_ =	shalt  }
0x5e: {  	_ =	shalt  }
0x5f: {  	_ =	shalt  }
0x60: {  	_ =	shalt  }
0x61: {  	_ =	shalt  }
0x62: {  	_ =	shalt  }
0x63: {  	_ =	shalt  }
0x64: {  	_ =	shalt  }
0x65: {  	_ =	shalt  }
0x66: {  	_ =	shalt  }
0x67: {  	_ =	shalt  }
0x68: {  	_ =	shalt  }
0x69: {  	_ =	shalt  }
0x6a: {  	_ =	shalt  }
0x6b: {  	_ =	shalt  }
0x6c: {  	_ =	shalt  }
0x6d: {  	_ =	shalt  }
0x6e: {  	_ =	shalt  }
0x6f: {  	_ =	shalt  }
0x70: {  	_ =	shalt  }
0x71: {  	_ =	shalt  }
0x72: {  	_ =	shalt  }
0x73: {  	_ =	shalt  }
0x74: {  	_ =	shalt  }
0x75: {  	_ =	shalt  }
0x76: {  	_ =	shalt  }
0x77: {  	_ =	shalt  }
0x78: {  	_ =	shalt  }
0x79: {  	_ =	shalt  }
0x7a: {  	_ =	shalt  }
0x7b: {  	_ =	shalt  }
0x7c: {  	_ =	shalt  }
0x7d: {  	_ =	shalt  }
0x7e: {  	_ =	shalt  }
0x7f: {  	_ =	shalt  }
0x80: {  	_ =	shalt  }
0x81: {  	_ =	shalt  }
0x82: {  	_ =	shalt  }
0x83: {  	_ =	shalt  }
0x84: {  	_ =	shalt  }
0x85: {  	_ =	shalt  }
0x86: {  	_ =	shalt  }
0x87: {  	_ =	shalt  }
.Lfunc_end0:
.L_simem_size_0:
called_computation_lowered:
.L_overlay_start_0:
0x88: {  	s2 =	sld [smem:$0x3FD9]  }
0x89: {  	s3 =	sld [smem:$0x3FFE];
	_ =	sdelay $0x1  }
0x8a: {  	s1 =	srdreg.scid  }
0x8b: {  	s0 =	sand.u32 $0x1, s1  }
0x8c: {  	s17 =	sshll.u32 s0, $0xA;
	s2 =	sadd.s32 s3, s2  }
0x8d: {  	s2 =	sadd.s32 s2, s17  }
0x8e: {  	[smem:$0x3FC7] =	sst s2  }
0x8f: {  	_ = 	snop  }
0x90: {  	s2 =	sld [smem:$0x3FC9]  }
0x91: {  	s18 =	sld [smem:$0x3FD0];
	(tm) =	ssettm $0x1  }
0x92: {  	s4 =	sld [smem:$0x3FFB];
	_ =	sdelay $0x3  }
0x93: {  	_ =	strace s4  }
0x94: {  	s4 =	sld [smem:$0x3FFC];
	_ =	sdelay $0x3  }
0x95: {  	_ =	strace s4  }
0x96: {  	s4 =	sld [smem:$0x3FFD];
	_ =	sdelay $0x3  }
0x97: {  	_ =	strace s4  }
0x98: {  	_ =	strace $0x8FFFFFFF  }
0x99: {  	s19 =	sld [smem:$0x3FDB];
	_ =	sdelay $0x1  }
0x9a: {  	s5 =	simm.s32 $_scs_section_size  }
0x9b: {  	s6 =	simm.s32 $_size__tile_overlayer_lowered;
	s7 =	simm.s32 $_tile_overlayer_lowered  }
0x9c: {  	s22 =	simm.s32 $0x1BFF;
	s21 =	sshll.u32 s7, $0x1;
	s4 =	sadd.s32 s5, s19  }
0x9d: {  	s8 =	simm.s32 $0x0;
	s20 =	sshll.u32 s6, $0x1;
	s6 =	sadd.s32 s21, s4  }
0x9e: {  	[timem:s8], [sflag:s22] =	dma.local [hbm:s6], s20  }
0x9f: {  	_ =	swait.ge [sflag:s22], s20  }
0xa0: {  	s5 =	ssub.s32 $0x0, s20;
	[sflag:s22] =	ssyncset.done $0x0  }
0xa1: {  	[sflag:s22] =	ssyncadd.s32 s5;
	_ =	sdelay $0x1  }
0xa2: {  	s23 =	simm.s32 $0x1B8B  }
0xa3: {  	_ =	swait.ge [sflag:s23], $0x1  }
0xa4: {  	[sflag:s23] =	ssyncset.done $0x0  }
0xa5: {  	s25 =	simm.s32 $0x1B8E;
	s24 =	sld [smem:$0x3FFE];
	[sflag:s23] =	ssyncadd.s32 $0xFFFFFFFF  }
0xa6: {  	s26 =	simm.s32 $execute0_lowered;
	[smem:$0x3FD2] =	sst s25  }
0xa7: {  	s6 =	sshll.u32 s26, $0x1;
	_ =	strace $0x80000046;
	[dreg:$0x1] =	wrdreg $0xFFFFFFFF  }
0xa8: {  	s28 =	simm.s32 $_size_execute0_lowered;
	s4 =	sadd.s32 s4, s6;
	[dreg:$0x0] =	wrdreg $0x0  }
0xa9: {  	s6 =	sshll.u32 s28, $0x1;
	[dreg:$0x2] =	wrdreg s4  }
0xaa: {  	[dreg:$0x3] =	wrdreg s6  }
0xab: {  	[dreg:$0x4] =	wrdreg $0xC0  }
0xac: {  	_ =	task [dreg:s8], $0x5FFFF  }
0xad: {  	[dreg:$0x1] =	wrdreg $0xFFFFFFFF  }
0xae: {  	[dreg:$0x0] =	wrdreg $0x60  }
0xaf: {  	[dreg:$0x2] =	wrdreg s2  }
0xb0: {  	[dreg:$0x3] =	wrdreg s18  }
0xb1: {  	[dreg:$0x4] =	wrdreg s24  }
0xb2: {  	[dreg:$0x5] =	wrdreg $0x9  }
0xb3: {  	_ =	task.clear_ibuf [dreg:s8], $0x6FFFF;
	_ =	strace $0x90000046  }
0xb4: {  	s29 =	simm.s32 $0x9;
	_ =	strace $0x80000048  }
0xb5: {  	_ =	swait.ge [sflag:s29], $0x1  }
0xb6: {  	[sflag:s29] =	ssyncadd.s32 $0xFFFFFFFF  }
0xb7: {  	_ =	strace $0x90000048  }
0xb8: {  	_ =	sfence  }
0xb9: {  	s30 =	sld [smem:$0x0];
	_ =	sdelay $0x2  }
0xba: {  	s31 =	sshll.u32 s1, $0xD;
	s1 =	sshrl.u32 s1, $0x2  }
0xbb: {  	s3 =	sand.u32 $0x4000, s31;
	s1 =	sadd.s32 s1, s30  }
0xbc: {  	s0 =	sor.u32 s3, s0;
	s1 =	sshll.u32 s1, $0x11  }
0xbd: {  	s0 =	sor.u32 s1, s0  }
0xbe: {  	s0 =	sadd.s32 $0x8F2B, s0  }
0xbf: {  	[sflag:s0] =	ssyncadd.remote.s32 $0x1  }
0xc0: {  	_ =	sfence.sel $0xFFFF  }
0xc1: {  	[dreg:$0x0] =	wrdreg $0xFFFFFFFF;
	(pc) =	sbr.abs _section_cstart, $3  }
0xc2: {  	[dreg:$0x1] =	wrdreg $0xFFFFFFFF  }
0xc3: {  	_ =	task.clear_ibuf [dreg:s8], $0x2FFFF;
	_ =	strace $0x9FFFFFFF  }
0xc4: {  	(tm) =	ssettm $0x7FFFFFFF  }
0xc5: {  	_ =	shalt  }
tec
execute0_lowered:
.L_overlay_start_1:
0x0: {  	(tag) =	ssettag $0x1  }
0x1: {  	s14 =	rddreg [dreg:$0x0]  }
0x2: {  	s13 =	rddreg [dreg:$0x1];
	s1 =	srdreg.scid  }
0x3: {  	s0 =	stileid.u32;
	s3 =	rddreg [dreg:$0x2];
	s2 =	simm.s32 $0x0  }
0x4: {  	s19 =	simm.s32 $0x2;
	s20 =	simm.s32 $0x8900;
	s21 =	simm.s32 $0x3  }
0x5: {  	s23 =	simm.s32 $0x1;
	s4 =	sand.u32 $0x1, s1;
	s1 =	rddreg [dreg:$0x3]  }
0x6: {  	s24 =	simm.s32 $0x0;
	s5 =	sshll.u32 s0, $0x1;
	[smem:$0x7FF] =	sst s2  }
0x7: {  	s18 =	sor.u32 s4, s5;
	_ =	strace $0x80000047;
	s4 =	ssub.s32 $0x2, s4  }
0x8: {  	s22 =	smul.u32 $0x7A10, s18;
	s5 =	sshll.u32 s18, $0x1;
	s30 =	sshrl.u32 s4, $0x1  }
0x9: {  	p0 =	sne.s32 s18, $0x0;
	s18 =	simm.s32 $0x7A80;
	s16 =	sadd.s32 s5, s3  }
0xa: {  	v0 =	vlaneseq.u32;
	s17 =	ssub.s32 s4, s30;
	s31 =	sshrl.u32 s22, $0x3;
	s15 =	sadd.s32 $0xC00, s16  }
0xb: {  	s16 =	sadd.s32 $0xE00, s16;
	s17 =	smax.u32 s17, $0x1;
	v0 =	vor.u32 s22, v0;
	s22 =	simm.s32 $0x8980  }
0xc: {  	s3 =	sadd.s32 s14, s31;
	s4 =	sadd.s32 s13, s31;
	s13 =	sadd.s32 $0x1E840, s13  }
0xd: {  	s14 =	sadd.s32 $0x1E840, s14;
	s5 =	sadd.s32 $0x1B2, s4;
	s6 =	sadd.s32 $0x364, s4  }
0xe: {  	s7 =	sadd.s32 $0x516, s4;
	s8 =	sadd.s32 $0x6C8, s4;
	s9 =	sadd.s32 $0x87A, s4  }
0xf: {  	v1 =	vimm.s32 $0x0;
	s10 =	sadd.s32 $0xA2C, s4;
	s11 =	sadd.s32 $0xBDE, s4;
	s12 =	sadd.s32 $0xD90, s4  }
.LBB2_1:
0x10: {  	[tilespmem:s2], [sflag:$0x2] =	stream.linear.gather [hbm4b:s3+s2], $0x7A10, $0x38;
	[tilespmem:$0x8B00] =	vst v63  }
0x11: {  	s25 =	simm.s32 $0x0;
	s26 =	simm.s32 $0x1C0  }
.LBB2_2:
0x12: {  	p1 =	sne.s32 s26, $0x3480;
	[tilespmem:s25+$0x7AE0] =	vst v1  }
0x13: {  	[tilespmem:s25+$0x7A80] =	vst v1  }
.Ltmp0:
0x14: {  	[tilespmem:s25+$0x7A90] =	vst v1;
	(pc) =	sbr.rel @p1 .LBB2_2-.Ltmp0, $4  }
0x15: {  	[tilespmem:s25+$0x7AA0] =	vst v1  }
0x16: {  	[tilespmem:s25+$0x7AB0] =	vst v1  }
0x17: {  	[tilespmem:s25+$0x7AC0] =	vst v1  }
0x18: {  	[tilespmem:s25+$0x7AD0] =	vst v1;
	s25 =	sshra.s32 s26, $0x2;
	s26 =	sadd.s32 $0x1C0, s26  }
0x19: {  	[tilespmem:s25+$0x7AE0] =	vst v1  }
0x1a: {  	[tilespmem:s25+$0x7A80] =	vst v1  }
0x1b: {  	[tilespmem:s25+$0x7A90] =	vst v1  }
0x1c: {  	[tilespmem:s25+$0x7AA0] =	vst v1  }
0x1d: {  	[tilespmem:s25+$0x7AB0] =	vst v1  }
0x1e: {  	[tilespmem:s25+$0x7AC0] =	vst v1  }
0x1f: {  	[tilespmem:s25+$0x7AD0] =	vst v1  }
0x20: {  	[hbm4b:s4+s2] =	stream.linear.scatter [tilespmem:s18], [sflag:$0x1], $0xD90, $0x38;
	[tilespmem:$0x8B00] =	vst v63  }
0x21: {  	_ = 	snop  }
0x22: {  	[hbm4b:s5+s2] =	stream.linear.scatter [tilespmem:s18], [sflag:$0x1], $0xD90, $0x38;
	[tilespmem:$0x8B00] =	vst v63  }
0x23: {  	_ = 	snop  }
0x24: {  	[hbm4b:s6+s2] =	stream.linear.scatter [tilespmem:s18], [sflag:$0x1], $0xD90, $0x38;
	[tilespmem:$0x8B00] =	vst v63  }
0x25: {  	_ = 	snop  }
0x26: {  	[hbm4b:s7+s2] =	stream.linear.scatter [tilespmem:s18], [sflag:$0x1], $0xD90, $0x38;
	[tilespmem:$0x8B00] =	vst v63  }
0x27: {  	_ = 	snop  }
0x28: {  	[hbm4b:s8+s2] =	stream.linear.scatter [tilespmem:s18], [sflag:$0x1], $0xD90, $0x38;
	[tilespmem:$0x8B00] =	vst v63  }
0x29: {  	_ = 	snop  }
0x2a: {  	[hbm4b:s9+s2] =	stream.linear.scatter [tilespmem:s18], [sflag:$0x1], $0xD90, $0x38;
	[tilespmem:$0x8B00] =	vst v63  }
0x2b: {  	_ = 	snop  }
0x2c: {  	[hbm4b:s10+s2] =	stream.linear.scatter [tilespmem:s18], [sflag:$0x1], $0xD90, $0x38;
	[tilespmem:$0x8B00] =	vst v63  }
0x2d: {  	_ = 	snop  }
0x2e: {  	[hbm4b:s11+s2] =	stream.linear.scatter [tilespmem:s18], [sflag:$0x1], $0xD90, $0x38;
	[tilespmem:$0x8B00] =	vst v63  }
0x2f: {  	_ = 	snop  }
0x30: {  	[hbm4b:s12+s2] =	stream.linear.scatter [tilespmem:s18], [sflag:$0x1], $0xD90, $0x38;
	[tilespmem:$0x8B00] =	vst v63  }
0x31: {  	s25 =	simm.s32 @!p0 $0x0;
	s26 =	simm.s32 @!p0 $0x7A80  }
0x32: {  	[hbm4b:s13+s25] =	stream.linear.scatter @!p0 [tilespmem:s26], [sflag:$0x3], $0x40, $0x38;
	[tilespmem:$0x8B00] =	vst v63  }
0x33: {  	s25 =	simm.s32 @!p0 $0x3  }
0x34: {  	_ =	swait.ge @!p0 [sflag:s25], $0x40  }
0x35: {  	[sflag:s25] =	ssyncset.done @!p0 $0x0  }
0x36: {  	[sflag:s25] =	ssyncadd.s32 @!p0 $0xFFFFFFC0  }
0x37: {  	_ =	swait.ge [sflag:s19], $0x7A10  }
0x38: {  	[sflag:s19] =	ssyncset.done $0x0  }
0x39: {  	s29 =	simm.s32 $0x40;
	[sflag:s19] =	ssyncadd.s32 $0xFFFF85F0  }
0x3a: {  	v2 =	vld [tilespmem:s29+$0xFFFFFFC0];
	_ =	sdelay $0x1  }
0x3b: {  	v3 =	vld [tilespmem:s29+$0xFFFFFFD0];
	_ =	sdelay $0x1  }
0x3c: {  	v4 =	vimm.f32 $-Inf;
	v5 =	vld [tilespmem:s29+$0xFFFFFFE0]  }
0x3d: {  	vm0 =	vgt.f32 v2, v4  }
0x3e: {  	v2 =	vsel vm0, v2, v4;
	v4 =	vld [tilespmem:s29+$0xFFFFFFF0]  }
0x3f: {  	vm1 =	vgt.f32 v3, v2  }
0x40: {  	v2 =	vsel vm1, v3, v2;
	v3 =	vld [tilespmem:s29+$0x0]  }
0x41: {  	vm2 =	vgt.f32 v5, v2  }
0x42: {  	v6 =	vimm.s32 $0x0;
	v2 =	vsel vm2, v5, v2;
	v5 =	vld [tilespmem:s29+$0x10]  }
0x43: {  	v7 =	vadd.s32 $0x10, v0;
	v6 =	vsel vm0, v0, v6;
	vm3 =	vgt.f32 v4, v2  }
0x44: {  	v2 =	vsel vm3, v4, v2;
	v4 =	vsel vm1, v7, v6;
	v6 =	vadd.s32 $0x20, v0  }
0x45: {  	v8 =	vld [tilespmem:s29+$0x20];
	vm13 =	vgt.f32 v3, v2;
	v4 =	vsel vm2, v6, v4;
	v6 =	vadd.s32 $0x30, v0  }
0x46: {  	v2 =	vsel vm13, v3, v2;
	v3 =	vsel vm3, v6, v4;
	v4 =	vadd.s32 $0x40, v0  }
0x47: {  	s30 =	simm.s32 $0x0;
	vm14 =	vgt.f32 v5, v2;
	v4 =	vsel vm13, v4, v3;
	v3 =	vld [tilespmem:s29+$0x30]  }
0x48: {  	s31 =	sand.u32 $0xFFF0, s30;
	v6 =	vadd.s32 $0x50, v0;
	v2 =	vsel vm14, v5, v2  }
0x49: {  	v6 =	vsel vm14, v6, v4;
	v4 =	vld [tilespmem:s31+$0x80]  }
0x4a: {  	v9 =	vadd.s32 $0x60, v0;
	s26 =	simm.s32 $0xD0;
	vm15 =	vgt.f32 v8, v2  }
0x4b: {  	s28 =	simm.s32 $0x120;
	s25 =	simm.s32 $0x90;
	v5 =	vld [tilespmem:s26+$0xFFFFFFC0];
	v7 =	vsel vm15, v8, v2;
	v6 =	vsel vm15, v9, v6;
	v2 =	vmov v0  }
.LBB2_4:
0x4c: {  	p1 =	sne.s32 s28, $0x7980;
	v8 =	vadd.s32 $0x70, v2;
	vm0 =	vgt.f32 v3, v7  }
0x4d: {  	v9 =	vld [tilespmem:s26+$0xFFFFFFD0];
	v3 =	vsel vm0, v3, v7;
	v6 =	vsel vm0, v8, v6  }
0x4e: {  	v7 =	vadd.s32 $0x80, v2;
	vm0 =	vgt.f32 v4, v3  }
0x4f: {  	v8 =	vld [tilespmem:s26+$0xFFFFFFE0];
	v3 =	vsel vm0, v4, v3;
	v4 =	vsel vm0, v7, v6  }
0x50: {  	v2 =	vadd.s32 $0x90, v2;
	vm0 =	vgt.f32 v5, v3  }
0x51: {  	v3 =	vsel vm0, v5, v3;
	v4 =	vsel vm0, v2, v4;
	v5 =	vld [tilespmem:s26+$0xFFFFFFF0]  }
0x52: {  	v6 =	vadd.s32 $0x10, v2;
	vm0 =	vgt.f32 v9, v3  }
0x53: {  	v3 =	vsel vm0, v9, v3;
	v4 =	vsel vm0, v6, v4;
	v6 =	vld [tilespmem:s26+$0x0]  }
0x54: {  	v7 =	vadd.s32 $0x20, v2;
	vm0 =	vgt.f32 v8, v3  }
0x55: {  	v3 =	vsel vm0, v8, v3;
	v4 =	vsel vm0, v7, v4;
	v7 =	vld [tilespmem:s26+$0x10]  }
0x56: {  	v8 =	vadd.s32 $0x30, v2;
	vm0 =	vgt.f32 v5, v3  }
0x57: {  	v3 =	vsel vm0, v5, v3;
	v4 =	vsel vm0, v8, v4;
	v8 =	vld [tilespmem:s26+$0x20]  }
0x58: {  	v5 =	vadd.s32 $0x40, v2;
	vm0 =	vgt.f32 v6, v3  }
.Ltmp1:
0x59: {  	v6 =	vsel vm0, v6, v3;
	v4 =	vsel vm0, v5, v4;
	v3 =	vld [tilespmem:s26+$0x30];
	(pc) =	sbr.rel @p1 .LBB2_4-.Ltmp1, $4  }
0x5a: {  	s29 =	sand.u32 $0xFFF0, s25;
	s25 =	smov.u32 s28;
	v5 =	vadd.s32 $0x50, v2;
	vm0 =	vgt.f32 v7, v6  }
0x5b: {  	v6 =	vsel vm0, v7, v6;
	v9 =	vsel vm0, v5, v4;
	v4 =	vld [tilespmem:s29+$0x80]  }
0x5c: {  	v10 =	vadd.s32 $0x60, v2;
	s26 =	sadd.s32 $0x90, s26;
	vm0 =	vgt.f32 v8, v6  }
0x5d: {  	s28 =	sadd.s32 $0x90, s28;
	v5 =	vld [tilespmem:s26+$0xFFFFFFC0];
	v7 =	vsel vm0, v8, v6;
	v6 =	vsel vm0, v10, v9  }
0x5e: {  	vm0 =	vgt.f32 v3, v7  }
0x5f: {  	v8 =	vld [tilespmem:s26+$0xFFFFFFD0];
	v3 =	vsel vm0, v3, v7  }
0x60: {  	vm1 =	vgt.f32 v4, v3  }
0x61: {  	v48 =	vld [tilespmem:s26+$0xFFFFFFE0];
	v3 =	vsel vm1, v4, v3  }
0x62: {  	vm2 =	vgt.f32 v5, v3  }
0x63: {  	v49 =	vld [tilespmem:s26+$0xFFFFFFF0];
	v3 =	vsel vm2, v5, v3  }
0x64: {  	vm3 =	vgt.f32 v8, v3  }
0x65: {  	v50 =	vld [tilespmem:s26+$0x0];
	v3 =	vsel vm3, v8, v3  }
0x66: {  	vm4 =	vgt.f32 v48, v3  }
0x67: {  	v51 =	vld [tilespmem:s26+$0x10];
	v3 =	vsel vm4, v48, v3  }
0x68: {  	vm5 =	vgt.f32 v49, v3  }
0x69: {  	v52 =	vadd.s32 $0x70, v2;
	v53 =	vld [tilespmem:s26+$0x20];
	v3 =	vsel vm5, v49, v3  }
0x6a: {  	v54 =	vadd.s32 $0x80, v2;
	v6 =	vsel vm0, v52, v6;
	vm11 =	vgt.f32 v50, v3  }
0x6b: {  	v2 =	vadd.s32 $0x90, v2;
	v55 =	vld [tilespmem:s26+$0x30];
	v6 =	vsel vm1, v54, v6;
	v3 =	vsel vm11, v50, v3  }
0x6c: {  	s25 =	sand.u32 $0xFFF0, s25;
	v56 =	vadd.s32 $0x10, v2;
	v6 =	vsel vm2, v2, v6;
	vm12 =	vgt.f32 v51, v3  }
0x6d: {  	v57 =	vadd.s32 $0x20, v2;
	v58 =	vld [tilespmem:s25+$0x80];
	v6 =	vsel vm3, v56, v6;
	v3 =	vsel vm12, v51, v3  }
0x6e: {  	v59 =	vadd.s32 $0x30, v2;
	v6 =	vsel vm4, v57, v6;
	vm13 =	vgt.f32 v53, v3  }
0x6f: {  	v60 =	vadd.s32 $0x40, v2;
	v6 =	vsel vm5, v59, v6;
	v3 =	vsel vm13, v53, v3  }
0x70: {  	v61 =	vadd.s32 $0x50, v2;
	v4 =	vsel vm11, v60, v6;
	vm14 =	vgt.f32 v55, v3  }
0x71: {  	v62 =	vadd.s32 $0x60, v2;
	v4 =	vsel vm12, v61, v4;
	v3 =	vsel vm14, v55, v3  }
0x72: {  	v63 =	vadd.s32 $0x70, v2;
	v4 =	vsel vm13, v62, v4;
	vm15 =	vgt.f32 v58, v3  }
0x73: {  	v2 =	vadd.s32 $0x80, v2;
	v4 =	vsel vm14, v63, v4;
	v3 =	vsel vm15, v58, v3  }
0x74: {  	v2 =	vsel vm15, v2, v4;
	[tilespmem:$0x8A00] =	vst v3  }
0x75: {  	s26 =	simm.s32 @!p0 $0x8880;
	s25 =	simm.s32 @!p0 $0x0;
	[tilespmem:$0x8A80] =	vst v2  }
0x76: {  	[tilespmem:s26], [sflag:$0x3] =	stream.linear.gather @!p0 [hbm4b:s14+s25], $0x40, $0x38;
	[tilespmem:$0x8B00] =	vst v63  }
0x77: {  	s25 =	simm.s32 @!p0 $0x3  }
0x78: {  	_ =	swait.ge @!p0 [sflag:s25], $0x40  }
0x79: {  	[sflag:s25] =	ssyncset.done @!p0 $0x0  }
0x7a: {  	[sflag:s25] =	ssyncadd.s32 @!p0 $0xFFFFFFC0  }
0x7b: {  	v2 =	vld @!p0 [tilespmem:$0x8A00]  }
0x7c: {  	v3 =	vld @!p0 [tilespmem:$0x8880];
	_ =	sdelay $0x1  }
0x7d: {  	v4 =	vld @!p0 [tilespmem:$0x8890];
	_ =	sdelay $0x1  }
0x7e: {  	v5 =	vld @!p0 [tilespmem:$0x88A0]  }
0x7f: {  	v6 =	vld @!p0 [tilespmem:$0x8A80];
	vm0 =	vgt.f32 @!p0 v3, v2  }
0x80: {  	v2 =	vsel @!p0 vm0, v3, v2;
	v3 =	vld @!p0 [tilespmem:$0x88B0]  }
0x81: {  	vm1 =	vgt.f32 @!p0 v4, v2  }
0x82: {  	v7 =	vlaneseq.u32 @!p0;
	v2 =	vsel @!p0 vm1, v4, v2  }
0x83: {  	v4 =	vor.u32 @!p0 $0xF4200, v7;
	vm2 =	vgt.f32 @!p0 v5, v2  }
0x84: {  	v4 =	vsel @!p0 vm0, v4, v6;
	v6 =	vor.u32 @!p0 $0xF4210, v7;
	v2 =	vsel @!p0 vm2, v5, v2  }
0x85: {  	v4 =	vsel @!p0 vm1, v6, v4;
	v5 =	vor.u32 @!p0 $0xF4220, v7;
	vm0 =	vgt.f32 @!p0 v3, v2  }
0x86: {  	v4 =	vsel @!p0 vm2, v5, v4;
	v2 =	vsel @!p0 vm0, v3, v2;
	v3 =	vor.u32 @!p0 $0xF4230, v7  }
0x87: {  	v3 =	vsel @!p0 vm0, v3, v4;
	[tilespmem:$0x8A00] =	vst @!p0 v2  }
0x88: {  	[tilespmem:$0x8A80] =	vst @!p0 v3;
	v2 =	vld [tilespmem:$0x8A00]  }
0x89: {  	v3 =	vld [tilespmem:$0x8A80];
	_ =	sdelay $0x3  }
0x8a: {  	[tilespmem:$0x8900] =	vst v2  }
0x8b: {  	[tilespmem:$0x8980] =	vst v3  }
0x8c: {  	[hbm4b:s15+s2] =	stream.linear.scatter [tilespmem:s20], [sflag:$0x3], $0x10, $0x38;
	[tilespmem:$0x8B00] =	vst v63  }
0x8d: {  	_ =	swait.ge [sflag:s21], $0x10  }
0x8e: {  	[sflag:s21] =	ssyncset.done $0x0  }
0x8f: {  	[sflag:s21] =	ssyncadd.s32 $0xFFFFFFF0  }
0x90: {  	[hbm4b:s16+s2] =	stream.linear.scatter [tilespmem:s22], [sflag:$0x3], $0x10, $0x38;
	[tilespmem:$0x8B00] =	vst v63  }
0x91: {  	_ =	swait.ge [sflag:s21], $0x10  }
0x92: {  	[sflag:s21] =	ssyncset.done $0x0  }
0x93: {  	[sflag:s21] =	ssyncadd.s32 $0xFFFFFFF0  }
0x94: {  	_ =	swait.ge [sflag:s23], $0xD90  }
0x95: {  	[sflag:s23] =	ssyncset.done $0x0  }
0x96: {  	[sflag:s23] =	ssyncadd.s32 $0xFFFFF270  }
0x97: {  	_ =	swait.ge [sflag:s23], $0xD90  }
0x98: {  	[sflag:s23] =	ssyncset.done $0x0  }
0x99: {  	[sflag:s23] =	ssyncadd.s32 $0xFFFFF270  }
0x9a: {  	_ =	swait.ge [sflag:s23], $0xD90  }
0x9b: {  	[sflag:s23] =	ssyncset.done $0x0  }
0x9c: {  	[sflag:s23] =	ssyncadd.s32 $0xFFFFF270  }
0x9d: {  	_ =	swait.ge [sflag:s23], $0xD90  }
0x9e: {  	[sflag:s23] =	ssyncset.done $0x0  }
0x9f: {  	[sflag:s23] =	ssyncadd.s32 $0xFFFFF270  }
0xa0: {  	_ =	swait.ge [sflag:s23], $0xD90  }
0xa1: {  	[sflag:s23] =	ssyncset.done $0x0  }
0xa2: {  	[sflag:s23] =	ssyncadd.s32 $0xFFFFF270  }
0xa3: {  	_ =	swait.ge [sflag:s23], $0xD90  }
0xa4: {  	[sflag:s23] =	ssyncset.done $0x0  }
0xa5: {  	[sflag:s23] =	ssyncadd.s32 $0xFFFFF270  }
0xa6: {  	_ =	swait.ge [sflag:s23], $0xD90  }
0xa7: {  	[sflag:s23] =	ssyncset.done $0x0  }
0xa8: {  	s24 =	sadd.s32 $0x1, s24;
	[sflag:s23] =	ssyncadd.s32 $0xFFFFF270  }
0xa9: {  	p1 =	sne.s32 s24, s17;
	_ =	swait.ge [sflag:s23], $0xD90  }
.Ltmp2:
0xaa: {  	[sflag:s23] =	ssyncset.done $0x0;
	(pc) =	sbr.rel @p1 .LBB2_1-.Ltmp2, $4  }
0xab: {  	[sflag:s23] =	ssyncadd.s32 $0xFFFFF270  }
0xac: {  	_ =	swait.ge [sflag:s23], $0xD90  }
0xad: {  	[sflag:s23] =	ssyncset.done $0x0  }
0xae: {  	[sflag:s23] =	ssyncadd.s32 $0xFFFFF270  }
0xaf: {  	_ =	sfence.sel $0x180000  }
0xb0: {  	[bflag:$0x0] =	sbarrier.arrive $0xFFFF  }
0xb1: {  	p0 =	sne.s32 s0, $0x0;
	_ =	strace $0x90000047  }
0xb2: {  	s0 =	sadd.s32 @!p0 $0x100000, s1;
	[bflag:$0x2] =	sbarrier.arrive $0xFFFF  }
0xb3: {  	[sflag:s0] =	ssyncadd.tile.s32 @!p0 $0x1;
	_ =	shalt  }
.Lfunc_end2:
_tile_overlayer_lowered:
.L_overlay_start_2:
0xb4: {  	(tag) =	ssettag $0x2  }
0xb5: {  	s0 =	rddreg [dreg:$0x0];
	s2 =	stileid.u32  }
0xb6: {  	s1 =	rddreg [dreg:$0x1];
	p0 =	sne.s32 s2, $0x0  }
0xb7: {  	s3 =	rddreg [dreg:$0x2];
	[bflag:$0x3] =	sbarrier.arrive $0xFFFF;
	s2 =	simm.s32 @!p0 $0x1C03  }
0xb8: {  	[timem:s3], [sflag:s2] =	dma.local @!p0 [hbm:s0], s1  }
0xb9: {  	s0 =	simm.s32 @!p0 $0x3  }
0xba: {  	_ =	swait.ge @!p0 [sflag:s0], s1  }
0xbb: {  	s1 =	ssub.s32 @!p0 $0x0, s1;
	[sflag:s0] =	ssyncset.done @!p0 $0x0  }
0xbc: {  	[sflag:s0] =	ssyncadd.s32 @!p0 s1  }
0xbd: {  	[bflag:$0x3] =	sbarrier.arrive $0xFFFF  }
0xbe: {  	_ =	shalt  }

</sc_bundles>
